<compile_context>
chip_gen: v7x
topology: tpu7x:2x2x1
jax: 0.10.2.dev20260603
libtpu: 0.0.44.dev20260713+nightly
codegen_flags: <defaults>
</compile_context>

<pallas_src>
import functools

import jax
import jax.numpy as jnp
from jax import lax
from jax.experimental import pallas as pl
from jax.experimental.pallas import tpu as pltpu
from jax.experimental.pallas import tpu_sc as plsc

B0, B1 = 16384, 50
D = 64
TOKENS = B0 * B1
NW = 32
IDXW = 128
NROWS = TOKENS // IDXW
ROWS_PER_W = NROWS // NW
CHUNK_IR = 5
NCHUNK = ROWS_PER_W // CHUNK_IR
NBUF = 2
NROUNDS = NCHUNK // NBUF

_mesh = plsc.VectorSubcoreMesh(core_axis_name="c", subcore_axis_name="s")


@functools.partial(
    pl.kernel,
    mesh=_mesh,
    compiler_params=pltpu.CompilerParams(use_tc_tiling_on_sc=False),
    out_type=jax.ShapeDtypeStruct((NROWS, IDXW, D), jnp.float32),
    scratch_types=[
        pltpu.VMEM((ROWS_PER_W, IDXW), jnp.int32),
        pltpu.VMEM((NBUF, CHUNK_IR, IDXW, D), jnp.float32),
        pltpu.SemaphoreType.DMA,
        pltpu.SemaphoreType.DMA,
        pltpu.SemaphoreType.DMA,
        pltpu.SemaphoreType.DMA,
    ],
)
def _gather(idx_hbm, table_hbm, out_hbm, idx_all, rows, g0, g1, o0, o1):
    gsem = (g0, g1)
    osem = (o0, o1)
    wid = lax.axis_index("s") * 2 + lax.axis_index("c")
    row0 = wid * ROWS_PER_W

    pltpu.sync_copy(idx_hbm.at[pl.ds(row0, ROWS_PER_W)], idx_all)

    def fire(c, b):
        for j in range(CHUNK_IR):
            pltpu.async_copy(table_hbm.at[idx_all.at[c * CHUNK_IR + j]],
                             rows.at[b, j], gsem[b])

    def drain_gather(c, b):
        for j in range(CHUNK_IR):
            pltpu.make_async_copy(table_hbm.at[idx_all.at[c * CHUNK_IR + j]],
                                  rows.at[b, j], gsem[b]).wait()

    def start_out(c, b):
        pltpu.async_copy(rows.at[b],
                         out_hbm.at[pl.ds(row0 + c * CHUNK_IR, CHUNK_IR)],
                         osem[b])

    def drain_out(c, b):
        pltpu.make_async_copy(rows.at[b],
                              out_hbm.at[pl.ds(row0 + c * CHUNK_IR, CHUNK_IR)],
                              osem[b]).wait()

    fire(0, 0)
    fire(1, 1)
    drain_gather(0, 0)
    start_out(0, 0)

    def round_body(r, carry):
        for b in range(NBUF):
            c = r * NBUF + b
            drain_out(c - NBUF, b)
            fire(c, b)
            pb = 1 - b
            drain_gather(c - 1, pb)
            start_out(c - 1, pb)
        return carry

    lax.fori_loop(1, NROUNDS, round_body, 0)

    last = NCHUNK - 1
    drain_gather(last, 1)
    start_out(last, 1)
    drain_out(last - 1, 0)
    drain_out(last, 1)


def kernel(x, weight):
    idx = x.astype(jnp.int32).reshape(NROWS, IDXW)
    out = _gather(idx, weight)
    return out.reshape(B0, B1, D)

# --- scband reference (transcript-rebuilt; emitter-appended) ---
"""Pipeline reference for scband-token-embedding-6768868458534 (READ-ONLY COPY).

The authoritative reference and input builder live on the scoring server;
editing this copy changes nothing except your own understanding.
"""

import jax, jax.numpy as jnp
import numpy as np

TOKEN_COUNT = 1000000
HIDDEN_SIZE = 64

def setup_inputs(seed: int = 0) -> dict:
    key = jax.random.key(seed)
    k_idx, k_w = jax.random.split(key)
    x = jax.random.randint(k_idx, (16384, 50), 0, TOKEN_COUNT, dtype=jnp.int64)
    weight = jax.random.normal(k_w, (TOKEN_COUNT, HIDDEN_SIZE), dtype=jnp.float32)
    return {"x": x, "weight": weight}

def reference(x, weight):
    # nn.Embedding forward: gather rows of the embedding table
    return jnp.take(weight, x, axis=0)

if __name__ == "__main__":
    import jax
    _d = setup_inputs()
    print(jax.jit(kernel)(*tuple(_d.values())))

</pallas_src>

<mosaic_0001>
#map = affine_map<(d0, d1) -> (0, 0)>
#map1 = affine_map<(d0, d1) -> (0, 0, 0)>
module attributes {stable_mosaic.version = 14 : i64} {
  func.func @_gather(%arg0: i32, %arg1: i32, %arg2: memref<6400x128xi32, #tpu.memory_space<hbm>>, %arg3: memref<1000000x64xf32, #tpu.memory_space<hbm>>, %arg4: memref<6400x128x64xf32, #tpu.memory_space<hbm>>, %arg5: memref<200x128xi32, #tpu.memory_space<vmem>>, %arg6: memref<2x5x128x64xf32, #tpu.memory_space<vmem>>, %arg7: memref<!tpu.dma_semaphore, #tpu.memory_space<semaphore_mem>>, %arg8: memref<!tpu.dma_semaphore, #tpu.memory_space<semaphore_mem>>, %arg9: memref<!tpu.dma_semaphore, #tpu.memory_space<semaphore_mem>>, %arg10: memref<!tpu.dma_semaphore, #tpu.memory_space<semaphore_mem>>) attributes {dimension_semantics = [#tpu.dimension_semantics<core_parallel>, #tpu.dimension_semantics<subcore_parallel>], iteration_bounds = array<i64: 2, 16>, scalar_prefetch = 0 : i64, scratch_operands = 6 : i64, tpu.core_type = #tpu.core_type<sc_vector_subcore>, window_params = [{transform_indices = #map}, {transform_indices = #map}, {transform_indices = #map1}]} {
    %mul3A = arith.constant 2 : i32
    %mul3A_0 = arith.muli %arg1, %mul3A : i32
    %add3A = arith.addi %mul3A_0, %arg0 : i32
    %mul3A_1 = arith.constant 200 : i32
    %mul3A_2 = arith.muli %add3A, %mul3A_1 : i32
    "tpu.region"() ({
      %run_scoped3A = tpu.sem_alloc : memref<!tpu.dma_semaphore, #tpu.memory_space<semaphore_mem>>
      %dma_start3A_342 = arith.constant 0 : i32
      %dma_start3A_343 = tpu.memref_slice %arg2[%mul3A_2, %dma_start3A_342] : memref<6400x128xi32, #tpu.memory_space<hbm>> -> memref<200x128xi32, #tpu.memory_space<hbm>>
      %dma_start3A_344 = arith.constant 0 : i32
      %dma_start3A_345 = tpu.memref_slice %arg2[%mul3A_2, %dma_start3A_344] : memref<6400x128xi32, #tpu.memory_space<hbm>> -> memref<200x128xi32, #tpu.memory_space<hbm>>
      tpu.enqueue_dma source(%dma_start3A_345 : memref<200x128xi32, #tpu.memory_space<hbm>>) target(%arg5 : memref<200x128xi32, #tpu.memory_space<vmem>>) target_semaphore(%run_scoped3A : memref<!tpu.dma_semaphore, #tpu.memory_space<semaphore_mem>>)
      %dma_wait3A_346 = arith.constant 0 : i32
      %dma_wait3A_347 = tpu.memref_slice %arg2[%mul3A_2, %dma_wait3A_346] : memref<6400x128xi32, #tpu.memory_space<hbm>> -> memref<200x128xi32, #tpu.memory_space<hbm>>
      %dma_wait3A_348 = arith.constant 0 : i32
      %dma_wait3A_349 = tpu.memref_slice %arg2[%mul3A_2, %dma_wait3A_348] : memref<6400x128xi32, #tpu.memory_space<hbm>> -> memref<200x128xi32, #tpu.memory_space<hbm>>
      tpu.wait_dma2 semaphore(%run_scoped3A : memref<!tpu.dma_semaphore, #tpu.memory_space<semaphore_mem>>) src(%dma_wait3A_349 : memref<200x128xi32, #tpu.memory_space<hbm>>) dst(%arg5 : memref<200x128xi32, #tpu.memory_space<vmem>>)
      tpu.yield
    }) : () -> ()
    %dma_start3A = arith.constant 0 : i32
    %dma_start3A_3 = arith.constant 0 : i32
    %dma_start3A_4 = arith.constant 0 : i32
    %dma_start3A_5 = arith.constant 0 : i32
    %dma_start3A_6 = arith.constant 0 : i32
    %dma_start3A_7 = tpu.memref_slice %arg6[%dma_start3A_3, %dma_start3A_4, %dma_start3A_5, %dma_start3A_6] : memref<2x5x128x64xf32, #tpu.memory_space<vmem>> -> memref<1x1x128x64xf32, #tpu.memory_space<vmem>>
    %dma_start3A_8 = tpu.memref_squeeze %dma_start3A_7 : memref<1x1x128x64xf32, #tpu.memory_space<vmem>> -> memref<128x64xf32, #tpu.memory_space<vmem>>
    %dma_start3A_9 = arith.constant 0 : i32
    %dma_start3A_10 = tpu.memref_slice %arg5[%dma_start3A, %dma_start3A_9] : memref<200x128xi32, #tpu.memory_space<vmem>> -> memref<1x128xi32, #tpu.memory_space<vmem>>
    %dma_start3A_11 = tpu.memref_squeeze %dma_start3A_10 : memref<1x128xi32, #tpu.memory_space<vmem>> -> memref<128xi32, #tpu.memory_space<vmem>>
    %dma_start3A_12 = arith.constant 0 : i32
    %dma_start3A_13 = arith.constant 0 : i32
    %dma_start3A_14 = tpu.memref_slice %arg3[%dma_start3A_12, %dma_start3A_13] : memref<1000000x64xf32, #tpu.memory_space<hbm>> -> memref<1000000x64xf32, #tpu.memory_space<hbm>>
    tpu.enqueue_indirect_dma source(%dma_start3A_14 : memref<1000000x64xf32, #tpu.memory_space<hbm>>) target(%dma_start3A_8 : memref<128x64xf32, #tpu.memory_space<vmem>>) offsets(%dma_start3A_11 : memref<128xi32, #tpu.memory_space<vmem>>) semaphore(%arg7 : memref<!tpu.dma_semaphore, #tpu.memory_space<semaphore_mem>>)
    %dma_start3A_15 = arith.constant 1 : i32
    %dma_start3A_16 = arith.constant 0 : i32
    %dma_start3A_17 = arith.constant 1 : i32
    %dma_start3A_18 = arith.constant 0 : i32
    %dma_start3A_19 = arith.constant 0 : i32
    %dma_start3A_20 = tpu.memref_slice %arg6[%dma_start3A_16, %dma_start3A_17, %dma_start3A_18, %dma_start3A_19] : memref<2x5x128x64xf32, #tpu.memory_space<vmem>> -> memref<1x1x128x64xf32, #tpu.memory_space<vmem>>
    %dma_start3A_21 = tpu.memref_squeeze %dma_start3A_20 : memref<1x1x128x64xf32, #tpu.memory_space<vmem>> -> memref<128x64xf32, #tpu.memory_space<vmem>>
    %dma_start3A_22 = arith.constant 0 : i32
    %dma_start3A_23 = tpu.memref_slice %arg5[%dma_start3A_15, %dma_start3A_22] : memref<200x128xi32, #tpu.memory_space<vmem>> -> memref<1x128xi32, #tpu.memory_space<vmem>>
    %dma_start3A_24 = tpu.memref_squeeze %dma_start3A_23 : memref<1x128xi32, #tpu.memory_space<vmem>> -> memref<128xi32, #tpu.memory_space<vmem>>
    %dma_start3A_25 = arith.constant 0 : i32
    %dma_start3A_26 = arith.constant 0 : i32
    %dma_start3A_27 = tpu.memref_slice %arg3[%dma_start3A_25, %dma_start3A_26] : memref<1000000x64xf32, #tpu.memory_space<hbm>> -> memref<1000000x64xf32, #tpu.memory_space<hbm>>
    tpu.enqueue_indirect_dma source(%dma_start3A_27 : memref<1000000x64xf32, #tpu.memory_space<hbm>>) target(%dma_start3A_21 : memref<128x64xf32, #tpu.memory_space<vmem>>) offsets(%dma_start3A_24 : memref<128xi32, #tpu.memory_space<vmem>>) semaphore(%arg7 : memref<!tpu.dma_semaphore, #tpu.memory_space<semaphore_mem>>)
    %dma_start3A_28 = arith.constant 2 : i32
    %dma_start3A_29 = arith.constant 0 : i32
    %dma_start3A_30 = arith.constant 2 : i32
    %dma_start3A_31 = arith.constant 0 : i32
    %dma_start3A_32 = arith.constant 0 : i32
    %dma_start3A_33 = tpu.memref_slice %arg6[%dma_start3A_29, %dma_start3A_30, %dma_start3A_31, %dma_start3A_32] : memref<2x5x128x64xf32, #tpu.memory_space<vmem>> -> memref<1x1x128x64xf32, #tpu.memory_space<vmem>>
    %dma_start3A_34 = tpu.memref_squeeze %dma_start3A_33 : memref<1x1x128x64xf32, #tpu.memory_space<vmem>> -> memref<128x64xf32, #tpu.memory_space<vmem>>
    %dma_start3A_35 = arith.constant 0 : i32
    %dma_start3A_36 = tpu.memref_slice %arg5[%dma_start3A_28, %dma_start3A_35] : memref<200x128xi32, #tpu.memory_space<vmem>> -> memref<1x128xi32, #tpu.memory_space<vmem>>
    %dma_start3A_37 = tpu.memref_squeeze %dma_start3A_36 : memref<1x128xi32, #tpu.memory_space<vmem>> -> memref<128xi32, #tpu.memory_space<vmem>>
    %dma_start3A_38 = arith.constant 0 : i32
    %dma_start3A_39 = arith.constant 0 : i32
    %dma_start3A_40 = tpu.memref_slice %arg3[%dma_start3A_38, %dma_start3A_39] : memref<1000000x64xf32, #tpu.memory_space<hbm>> -> memref<1000000x64xf32, #tpu.memory_space<hbm>>
    tpu.enqueue_indirect_dma source(%dma_start3A_40 : memref<1000000x64xf32, #tpu.memory_space<hbm>>) target(%dma_start3A_34 : memref<128x64xf32, #tpu.memory_space<vmem>>) offsets(%dma_start3A_37 : memref<128xi32, #tpu.memory_space<vmem>>) semaphore(%arg7 : memref<!tpu.dma_semaphore, #tpu.memory_space<semaphore_mem>>)
    %dma_start3A_41 = arith.constant 3 : i32
    %dma_start3A_42 = arith.constant 0 : i32
    %dma_start3A_43 = arith.constant 3 : i32
    %dma_start3A_44 = arith.constant 0 : i32
    %dma_start3A_45 = arith.constant 0 : i32
    %dma_start3A_46 = tpu.memref_slice %arg6[%dma_start3A_42, %dma_start3A_43, %dma_start3A_44, %dma_start3A_45] : memref<2x5x128x64xf32, #tpu.memory_space<vmem>> -> memref<1x1x128x64xf32, #tpu.memory_space<vmem>>
    %dma_start3A_47 = tpu.memref_squeeze %dma_start3A_46 : memref<1x1x128x64xf32, #tpu.memory_space<vmem>> -> memref<128x64xf32, #tpu.memory_space<vmem>>
    %dma_start3A_48 = arith.constant 0 : i32
    %dma_start3A_49 = tpu.memref_slice %arg5[%dma_start3A_41, %dma_start3A_48] : memref<200x128xi32, #tpu.memory_space<vmem>> -> memref<1x128xi32, #tpu.memory_space<vmem>>
    %dma_start3A_50 = tpu.memref_squeeze %dma_start3A_49 : memref<1x128xi32, #tpu.memory_space<vmem>> -> memref<128xi32, #tpu.memory_space<vmem>>
    %dma_start3A_51 = arith.constant 0 : i32
    %dma_start3A_52 = arith.constant 0 : i32
    %dma_start3A_53 = tpu.memref_slice %arg3[%dma_start3A_51, %dma_start3A_52] : memref<1000000x64xf32, #tpu.memory_space<hbm>> -> memref<1000000x64xf32, #tpu.memory_space<hbm>>
    tpu.enqueue_indirect_dma source(%dma_start3A_53 : memref<1000000x64xf32, #tpu.memory_space<hbm>>) target(%dma_start3A_47 : memref<128x64xf32, #tpu.memory_space<vmem>>) offsets(%dma_start3A_50 : memref<128xi32, #tpu.memory_space<vmem>>) semaphore(%arg7 : memref<!tpu.dma_semaphore, #tpu.memory_space<semaphore_mem>>)
    %dma_start3A_54 = arith.constant 4 : i32
    %dma_start3A_55 = arith.constant 0 : i32
    %dma_start3A_56 = arith.constant 4 : i32
    %dma_start3A_57 = arith.constant 0 : i32
    %dma_start3A_58 = arith.constant 0 : i32
    %dma_start3A_59 = tpu.memref_slice %arg6[%dma_start3A_55, %dma_start3A_56, %dma_start3A_57, %dma_start3A_58] : memref<2x5x128x64xf32, #tpu.memory_space<vmem>> -> memref<1x1x128x64xf32, #tpu.memory_space<vmem>>
    %dma_start3A_60 = tpu.memref_squeeze %dma_start3A_59 : memref<1x1x128x64xf32, #tpu.memory_space<vmem>> -> memref<128x64xf32, #tpu.memory_space<vmem>>
    %dma_start3A_61 = arith.constant 0 : i32
    %dma_start3A_62 = tpu.memref_slice %arg5[%dma_start3A_54, %dma_start3A_61] : memref<200x128xi32, #tpu.memory_space<vmem>> -> memref<1x128xi32, #tpu.memory_space<vmem>>
    %dma_start3A_63 = tpu.memref_squeeze %dma_start3A_62 : memref<1x128xi32, #tpu.memory_space<vmem>> -> memref<128xi32, #tpu.memory_space<vmem>>
    %dma_start3A_64 = arith.constant 0 : i32
    %dma_start3A_65 = arith.constant 0 : i32
    %dma_start3A_66 = tpu.memref_slice %arg3[%dma_start3A_64, %dma_start3A_65] : memref<1000000x64xf32, #tpu.memory_space<hbm>> -> memref<1000000x64xf32, #tpu.memory_space<hbm>>
    tpu.enqueue_indirect_dma source(%dma_start3A_66 : memref<1000000x64xf32, #tpu.memory_space<hbm>>) target(%dma_start3A_60 : memref<128x64xf32, #tpu.memory_space<vmem>>) offsets(%dma_start3A_63 : memref<128xi32, #tpu.memory_space<vmem>>) semaphore(%arg7 : memref<!tpu.dma_semaphore, #tpu.memory_space<semaphore_mem>>)
    %dma_start3A_67 = arith.constant 5 : i32
    %dma_start3A_68 = arith.constant 1 : i32
    %dma_start3A_69 = arith.constant 0 : i32
    %dma_start3A_70 = arith.constant 0 : i32
    %dma_start3A_71 = arith.constant 0 : i32
    %dma_start3A_72 = tpu.memref_slice %arg6[%dma_start3A_68, %dma_start3A_69, %dma_start3A_70, %dma_start3A_71] : memref<2x5x128x64xf32, #tpu.memory_space<vmem>> -> memref<1x1x128x64xf32, #tpu.memory_space<vmem>>
    %dma_start3A_73 = tpu.memref_squeeze %dma_start3A_72 : memref<1x1x128x64xf32, #tpu.memory_space<vmem>> -> memref<128x64xf32, #tpu.memory_space<vmem>>
    %dma_start3A_74 = arith.constant 0 : i32
    %dma_start3A_75 = tpu.memref_slice %arg5[%dma_start3A_67, %dma_start3A_74] : memref<200x128xi32, #tpu.memory_space<vmem>> -> memref<1x128xi32, #tpu.memory_space<vmem>>
    %dma_start3A_76 = tpu.memref_squeeze %dma_start3A_75 : memref<1x128xi32, #tpu.memory_space<vmem>> -> memref<128xi32, #tpu.memory_space<vmem>>
    %dma_start3A_77 = arith.constant 0 : i32
    %dma_start3A_78 = arith.constant 0 : i32
    %dma_start3A_79 = tpu.memref_slice %arg3[%dma_start3A_77, %dma_start3A_78] : memref<1000000x64xf32, #tpu.memory_space<hbm>> -> memref<1000000x64xf32, #tpu.memory_space<hbm>>
    tpu.enqueue_indirect_dma source(%dma_start3A_79 : memref<1000000x64xf32, #tpu.memory_space<hbm>>) target(%dma_start3A_73 : memref<128x64xf32, #tpu.memory_space<vmem>>) offsets(%dma_start3A_76 : memref<128xi32, #tpu.memory_space<vmem>>) semaphore(%arg8 : memref<!tpu.dma_semaphore, #tpu.memory_space<semaphore_mem>>)
    %dma_start3A_80 = arith.constant 6 : i32
    %dma_start3A_81 = arith.constant 1 : i32
    %dma_start3A_82 = arith.constant 1 : i32
    %dma_start3A_83 = arith.constant 0 : i32
    %dma_start3A_84 = arith.constant 0 : i32
    %dma_start3A_85 = tpu.memref_slice %arg6[%dma_start3A_81, %dma_start3A_82, %dma_start3A_83, %dma_start3A_84] : memref<2x5x128x64xf32, #tpu.memory_space<vmem>> -> memref<1x1x128x64xf32, #tpu.memory_space<vmem>>
    %dma_start3A_86 = tpu.memref_squeeze %dma_start3A_85 : memref<1x1x128x64xf32, #tpu.memory_space<vmem>> -> memref<128x64xf32, #tpu.memory_space<vmem>>
    %dma_start3A_87 = arith.constant 0 : i32
    %dma_start3A_88 = tpu.memref_slice %arg5[%dma_start3A_80, %dma_start3A_87] : memref<200x128xi32, #tpu.memory_space<vmem>> -> memref<1x128xi32, #tpu.memory_space<vmem>>
    %dma_start3A_89 = tpu.memref_squeeze %dma_start3A_88 : memref<1x128xi32, #tpu.memory_space<vmem>> -> memref<128xi32, #tpu.memory_space<vmem>>
    %dma_start3A_90 = arith.constant 0 : i32
    %dma_start3A_91 = arith.constant 0 : i32
    %dma_start3A_92 = tpu.memref_slice %arg3[%dma_start3A_90, %dma_start3A_91] : memref<1000000x64xf32, #tpu.memory_space<hbm>> -> memref<1000000x64xf32, #tpu.memory_space<hbm>>
    tpu.enqueue_indirect_dma source(%dma_start3A_92 : memref<1000000x64xf32, #tpu.memory_space<hbm>>) target(%dma_start3A_86 : memref<128x64xf32, #tpu.memory_space<vmem>>) offsets(%dma_start3A_89 : memref<128xi32, #tpu.memory_space<vmem>>) semaphore(%arg8 : memref<!tpu.dma_semaphore, #tpu.memory_space<semaphore_mem>>)
    %dma_start3A_93 = arith.constant 7 : i32
    %dma_start3A_94 = arith.constant 1 : i32
    %dma_start3A_95 = arith.constant 2 : i32
    %dma_start3A_96 = arith.constant 0 : i32
    %dma_start3A_97 = arith.constant 0 : i32
    %dma_start3A_98 = tpu.memref_slice %arg6[%dma_start3A_94, %dma_start3A_95, %dma_start3A_96, %dma_start3A_97] : memref<2x5x128x64xf32, #tpu.memory_space<vmem>> -> memref<1x1x128x64xf32, #tpu.memory_space<vmem>>
    %dma_start3A_99 = tpu.memref_squeeze %dma_start3A_98 : memref<1x1x128x64xf32, #tpu.memory_space<vmem>> -> memref<128x64xf32, #tpu.memory_space<vmem>>
    %dma_start3A_100 = arith.constant 0 : i32
    %dma_start3A_101 = tpu.memref_slice %arg5[%dma_start3A_93, %dma_start3A_100] : memref<200x128xi32, #tpu.memory_space<vmem>> -> memref<1x128xi32, #tpu.memory_space<vmem>>
    %dma_start3A_102 = tpu.memref_squeeze %dma_start3A_101 : memref<1x128xi32, #tpu.memory_space<vmem>> -> memref<128xi32, #tpu.memory_space<vmem>>
    %dma_start3A_103 = arith.constant 0 : i32
    %dma_start3A_104 = arith.constant 0 : i32
    %dma_start3A_105 = tpu.memref_slice %arg3[%dma_start3A_103, %dma_start3A_104] : memref<1000000x64xf32, #tpu.memory_space<hbm>> -> memref<1000000x64xf32, #tpu.memory_space<hbm>>
    tpu.enqueue_indirect_dma source(%dma_start3A_105 : memref<1000000x64xf32, #tpu.memory_space<hbm>>) target(%dma_start3A_99 : memref<128x64xf32, #tpu.memory_space<vmem>>) offsets(%dma_start3A_102 : memref<128xi32, #tpu.memory_space<vmem>>) semaphore(%arg8 : memref<!tpu.dma_semaphore, #tpu.memory_space<semaphore_mem>>)
    %dma_start3A_106 = arith.constant 8 : i32
    %dma_start3A_107 = arith.constant 1 : i32
    %dma_start3A_108 = arith.constant 3 : i32
    %dma_start3A_109 = arith.constant 0 : i32
    %dma_start3A_110 = arith.constant 0 : i32
    %dma_start3A_111 = tpu.memref_slice %arg6[%dma_start3A_107, %dma_start3A_108, %dma_start3A_109, %dma_start3A_110] : memref<2x5x128x64xf32, #tpu.memory_space<vmem>> -> memref<1x1x128x64xf32, #tpu.memory_space<vmem>>
    %dma_start3A_112 = tpu.memref_squeeze %dma_start3A_111 : memref<1x1x128x64xf32, #tpu.memory_space<vmem>> -> memref<128x64xf32, #tpu.memory_space<vmem>>
    %dma_start3A_113 = arith.constant 0 : i32
    %dma_start3A_114 = tpu.memref_slice %arg5[%dma_start3A_106, %dma_start3A_113] : memref<200x128xi32, #tpu.memory_space<vmem>> -> memref<1x128xi32, #tpu.memory_space<vmem>>
    %dma_start3A_115 = tpu.memref_squeeze %dma_start3A_114 : memref<1x128xi32, #tpu.memory_space<vmem>> -> memref<128xi32, #tpu.memory_space<vmem>>
    %dma_start3A_116 = arith.constant 0 : i32
    %dma_start3A_117 = arith.constant 0 : i32
    %dma_start3A_118 = tpu.memref_slice %arg3[%dma_start3A_116, %dma_start3A_117] : memref<1000000x64xf32, #tpu.memory_space<hbm>> -> memref<1000000x64xf32, #tpu.memory_space<hbm>>
    tpu.enqueue_indirect_dma source(%dma_start3A_118 : memref<1000000x64xf32, #tpu.memory_space<hbm>>) target(%dma_start3A_112 : memref<128x64xf32, #tpu.memory_space<vmem>>) offsets(%dma_start3A_115 : memref<128xi32, #tpu.memory_space<vmem>>) semaphore(%arg8 : memref<!tpu.dma_semaphore, #tpu.memory_space<semaphore_mem>>)
    %dma_start3A_119 = arith.constant 9 : i32
    %dma_start3A_120 = arith.constant 1 : i32
    %dma_start3A_121 = arith.constant 4 : i32
    %dma_start3A_122 = arith.constant 0 : i32
    %dma_start3A_123 = arith.constant 0 : i32
    %dma_start3A_124 = tpu.memref_slice %arg6[%dma_start3A_120, %dma_start3A_121, %dma_start3A_122, %dma_start3A_123] : memref<2x5x128x64xf32, #tpu.memory_space<vmem>> -> memref<1x1x128x64xf32, #tpu.memory_space<vmem>>
    %dma_start3A_125 = tpu.memref_squeeze %dma_start3A_124 : memref<1x1x128x64xf32, #tpu.memory_space<vmem>> -> memref<128x64xf32, #tpu.memory_space<vmem>>
    %dma_start3A_126 = arith.constant 0 : i32
    %dma_start3A_127 = tpu.memref_slice %arg5[%dma_start3A_119, %dma_start3A_126] : memref<200x128xi32, #tpu.memory_space<vmem>> -> memref<1x128xi32, #tpu.memory_space<vmem>>
    %dma_start3A_128 = tpu.memref_squeeze %dma_start3A_127 : memref<1x128xi32, #tpu.memory_space<vmem>> -> memref<128xi32, #tpu.memory_space<vmem>>
    %dma_start3A_129 = arith.constant 0 : i32
    %dma_start3A_130 = arith.constant 0 : i32
    %dma_start3A_131 = tpu.memref_slice %arg3[%dma_start3A_129, %dma_start3A_130] : memref<1000000x64xf32, #tpu.memory_space<hbm>> -> memref<1000000x64xf32, #tpu.memory_space<hbm>>
    tpu.enqueue_indirect_dma source(%dma_start3A_131 : memref<1000000x64xf32, #tpu.memory_space<hbm>>) target(%dma_start3A_125 : memref<128x64xf32, #tpu.memory_space<vmem>>) offsets(%dma_start3A_128 : memref<128xi32, #tpu.memory_space<vmem>>) semaphore(%arg8 : memref<!tpu.dma_semaphore, #tpu.memory_space<semaphore_mem>>)
    %dma_wait3A = arith.constant 0 : i32
    %dma_wait3A_132 = arith.constant 0 : i32
    %dma_wait3A_133 = arith.constant 0 : i32
    %dma_wait3A_134 = arith.constant 0 : i32
    %dma_wait3A_135 = arith.constant 0 : i32
    %dma_wait3A_136 = tpu.memref_slice %arg6[%dma_wait3A_132, %dma_wait3A_133, %dma_wait3A_134, %dma_wait3A_135] : memref<2x5x128x64xf32, #tpu.memory_space<vmem>> -> memref<1x1x128x64xf32, #tpu.memory_space<vmem>>
    %dma_wait3A_137 = tpu.memref_squeeze %dma_wait3A_136 : memref<1x1x128x64xf32, #tpu.memory_space<vmem>> -> memref<128x64xf32, #tpu.memory_space<vmem>>
    %dma_wait3A_138 = arith.constant 0 : i32
    %dma_wait3A_139 = tpu.memref_slice %arg5[%dma_wait3A, %dma_wait3A_138] : memref<200x128xi32, #tpu.memory_space<vmem>> -> memref<1x128xi32, #tpu.memory_space<vmem>>
    %dma_wait3A_140 = tpu.memref_squeeze %dma_wait3A_139 : memref<1x128xi32, #tpu.memory_space<vmem>> -> memref<128xi32, #tpu.memory_space<vmem>>
    %dma_wait3A_141 = arith.constant 0 : i32
    %dma_wait3A_142 = arith.constant 0 : i32
    %dma_wait3A_143 = tpu.memref_slice %arg3[%dma_wait3A_141, %dma_wait3A_142] : memref<1000000x64xf32, #tpu.memory_space<hbm>> -> memref<1000000x64xf32, #tpu.memory_space<hbm>>
    tpu.wait_indirect_dma semaphore(%arg7 : memref<!tpu.dma_semaphore, #tpu.memory_space<semaphore_mem>>) src(%dma_wait3A_143 : memref<1000000x64xf32, #tpu.memory_space<hbm>>) dst(%dma_wait3A_137 : memref<128x64xf32, #tpu.memory_space<vmem>>)
    %dma_wait3A_144 = arith.constant 1 : i32
    %dma_wait3A_145 = arith.constant 0 : i32
    %dma_wait3A_146 = arith.constant 1 : i32
    %dma_wait3A_147 = arith.constant 0 : i32
    %dma_wait3A_148 = arith.constant 0 : i32
    %dma_wait3A_149 = tpu.memref_slice %arg6[%dma_wait3A_145, %dma_wait3A_146, %dma_wait3A_147, %dma_wait3A_148] : memref<2x5x128x64xf32, #tpu.memory_space<vmem>> -> memref<1x1x128x64xf32, #tpu.memory_space<vmem>>
    %dma_wait3A_150 = tpu.memref_squeeze %dma_wait3A_149 : memref<1x1x128x64xf32, #tpu.memory_space<vmem>> -> memref<128x64xf32, #tpu.memory_space<vmem>>
    %dma_wait3A_151 = arith.constant 0 : i32
    %dma_wait3A_152 = tpu.memref_slice %arg5[%dma_wait3A_144, %dma_wait3A_151] : memref<200x128xi32, #tpu.memory_space<vmem>> -> memref<1x128xi32, #tpu.memory_space<vmem>>
    %dma_wait3A_153 = tpu.memref_squeeze %dma_wait3A_152 : memref<1x128xi32, #tpu.memory_space<vmem>> -> memref<128xi32, #tpu.memory_space<vmem>>
    %dma_wait3A_154 = arith.constant 0 : i32
    %dma_wait3A_155 = arith.constant 0 : i32
    %dma_wait3A_156 = tpu.memref_slice %arg3[%dma_wait3A_154, %dma_wait3A_155] : memref<1000000x64xf32, #tpu.memory_space<hbm>> -> memref<1000000x64xf32, #tpu.memory_space<hbm>>
    tpu.wait_indirect_dma semaphore(%arg7 : memref<!tpu.dma_semaphore, #tpu.memory_space<semaphore_mem>>) src(%dma_wait3A_156 : memref<1000000x64xf32, #tpu.memory_space<hbm>>) dst(%dma_wait3A_150 : memref<128x64xf32, #tpu.memory_space<vmem>>)
    %dma_wait3A_157 = arith.constant 2 : i32
    %dma_wait3A_158 = arith.constant 0 : i32
    %dma_wait3A_159 = arith.constant 2 : i32
    %dma_wait3A_160 = arith.constant 0 : i32
    %dma_wait3A_161 = arith.constant 0 : i32
    %dma_wait3A_162 = tpu.memref_slice %arg6[%dma_wait3A_158, %dma_wait3A_159, %dma_wait3A_160, %dma_wait3A_161] : memref<2x5x128x64xf32, #tpu.memory_space<vmem>> -> memref<1x1x128x64xf32, #tpu.memory_space<vmem>>
    %dma_wait3A_163 = tpu.memref_squeeze %dma_wait3A_162 : memref<1x1x128x64xf32, #tpu.memory_space<vmem>> -> memref<128x64xf32, #tpu.memory_space<vmem>>
    %dma_wait3A_164 = arith.constant 0 : i32
    %dma_wait3A_165 = tpu.memref_slice %arg5[%dma_wait3A_157, %dma_wait3A_164] : memref<200x128xi32, #tpu.memory_space<vmem>> -> memref<1x128xi32, #tpu.memory_space<vmem>>
    %dma_wait3A_166 = tpu.memref_squeeze %dma_wait3A_165 : memref<1x128xi32, #tpu.memory_space<vmem>> -> memref<128xi32, #tpu.memory_space<vmem>>
    %dma_wait3A_167 = arith.constant 0 : i32
    %dma_wait3A_168 = arith.constant 0 : i32
    %dma_wait3A_169 = tpu.memref_slice %arg3[%dma_wait3A_167, %dma_wait3A_168] : memref<1000000x64xf32, #tpu.memory_space<hbm>> -> memref<1000000x64xf32, #tpu.memory_space<hbm>>
    tpu.wait_indirect_dma semaphore(%arg7 : memref<!tpu.dma_semaphore, #tpu.memory_space<semaphore_mem>>) src(%dma_wait3A_169 : memref<1000000x64xf32, #tpu.memory_space<hbm>>) dst(%dma_wait3A_163 : memref<128x64xf32, #tpu.memory_space<vmem>>)
    %dma_wait3A_170 = arith.constant 3 : i32
    %dma_wait3A_171 = arith.constant 0 : i32
    %dma_wait3A_172 = arith.constant 3 : i32
    %dma_wait3A_173 = arith.constant 0 : i32
    %dma_wait3A_174 = arith.constant 0 : i32
    %dma_wait3A_175 = tpu.memref_slice %arg6[%dma_wait3A_171, %dma_wait3A_172, %dma_wait3A_173, %dma_wait3A_174] : memref<2x5x128x64xf32, #tpu.memory_space<vmem>> -> memref<1x1x128x64xf32, #tpu.memory_space<vmem>>
    %dma_wait3A_176 = tpu.memref_squeeze %dma_wait3A_175 : memref<1x1x128x64xf32, #tpu.memory_space<vmem>> -> memref<128x64xf32, #tpu.memory_space<vmem>>
    %dma_wait3A_177 = arith.constant 0 : i32
    %dma_wait3A_178 = tpu.memref_slice %arg5[%dma_wait3A_170, %dma_wait3A_177] : memref<200x128xi32, #tpu.memory_space<vmem>> -> memref<1x128xi32, #tpu.memory_space<vmem>>
    %dma_wait3A_179 = tpu.memref_squeeze %dma_wait3A_178 : memref<1x128xi32, #tpu.memory_space<vmem>> -> memref<128xi32, #tpu.memory_space<vmem>>
    %dma_wait3A_180 = arith.constant 0 : i32
    %dma_wait3A_181 = arith.constant 0 : i32
    %dma_wait3A_182 = tpu.memref_slice %arg3[%dma_wait3A_180, %dma_wait3A_181] : memref<1000000x64xf32, #tpu.memory_space<hbm>> -> memref<1000000x64xf32, #tpu.memory_space<hbm>>
    tpu.wait_indirect_dma semaphore(%arg7 : memref<!tpu.dma_semaphore, #tpu.memory_space<semaphore_mem>>) src(%dma_wait3A_182 : memref<1000000x64xf32, #tpu.memory_space<hbm>>) dst(%dma_wait3A_176 : memref<128x64xf32, #tpu.memory_space<vmem>>)
    %dma_wait3A_183 = arith.constant 4 : i32
    %dma_wait3A_184 = arith.constant 0 : i32
    %dma_wait3A_185 = arith.constant 4 : i32
    %dma_wait3A_186 = arith.constant 0 : i32
    %dma_wait3A_187 = arith.constant 0 : i32
    %dma_wait3A_188 = tpu.memref_slice %arg6[%dma_wait3A_184, %dma_wait3A_185, %dma_wait3A_186, %dma_wait3A_187] : memref<2x5x128x64xf32, #tpu.memory_space<vmem>> -> memref<1x1x128x64xf32, #tpu.memory_space<vmem>>
    %dma_wait3A_189 = tpu.memref_squeeze %dma_wait3A_188 : memref<1x1x128x64xf32, #tpu.memory_space<vmem>> -> memref<128x64xf32, #tpu.memory_space<vmem>>
    %dma_wait3A_190 = arith.constant 0 : i32
    %dma_wait3A_191 = tpu.memref_slice %arg5[%dma_wait3A_183, %dma_wait3A_190] : memref<200x128xi32, #tpu.memory_space<vmem>> -> memref<1x128xi32, #tpu.memory_space<vmem>>
    %dma_wait3A_192 = tpu.memref_squeeze %dma_wait3A_191 : memref<1x128xi32, #tpu.memory_space<vmem>> -> memref<128xi32, #tpu.memory_space<vmem>>
    %dma_wait3A_193 = arith.constant 0 : i32
    %dma_wait3A_194 = arith.constant 0 : i32
    %dma_wait3A_195 = tpu.memref_slice %arg3[%dma_wait3A_193, %dma_wait3A_194] : memref<1000000x64xf32, #tpu.memory_space<hbm>> -> memref<1000000x64xf32, #tpu.memory_space<hbm>>
    tpu.wait_indirect_dma semaphore(%arg7 : memref<!tpu.dma_semaphore, #tpu.memory_space<semaphore_mem>>) src(%dma_wait3A_195 : memref<1000000x64xf32, #tpu.memory_space<hbm>>) dst(%dma_wait3A_189 : memref<128x64xf32, #tpu.memory_space<vmem>>)
    %add3A_196 = arith.constant 0 : i32
    %add3A_197 = arith.addi %mul3A_2, %add3A_196 : i32
    %dma_start3A_198 = arith.constant 0 : i32
    %dma_start3A_199 = arith.constant 0 : i32
    %dma_start3A_200 = arith.constant 0 : i32
    %dma_start3A_201 = arith.constant 0 : i32
    %dma_start3A_202 = tpu.memref_slice %arg6[%dma_start3A_198, %dma_start3A_199, %dma_start3A_200, %dma_start3A_201] : memref<2x5x128x64xf32, #tpu.memory_space<vmem>> -> memref<1x5x128x64xf32, #tpu.memory_space<vmem>>
    %dma_start3A_203 = tpu.memref_squeeze %dma_start3A_202 : memref<1x5x128x64xf32, #tpu.memory_space<vmem>> -> memref<5x128x64xf32, #tpu.memory_space<vmem>>
    %dma_start3A_204 = arith.constant 0 : i32
    %dma_start3A_205 = arith.constant 0 : i32
    %dma_start3A_206 = tpu.memref_slice %arg4[%add3A_197, %dma_start3A_204, %dma_start3A_205] : memref<6400x128x64xf32, #tpu.memory_space<hbm>> -> memref<5x128x64xf32, #tpu.memory_space<hbm>>
    %dma_start3A_207 = arith.constant 0 : i32
    %dma_start3A_208 = arith.constant 0 : i32
    %dma_start3A_209 = tpu.memref_slice %arg4[%add3A_197, %dma_start3A_207, %dma_start3A_208] : memref<6400x128x64xf32, #tpu.memory_space<hbm>> -> memref<5x128x64xf32, #tpu.memory_space<hbm>>
    %dma_start3A_210 = arith.constant 0 : i32
    %dma_start3A_211 = arith.constant 0 : i32
    %dma_start3A_212 = arith.constant 0 : i32
    %dma_start3A_213 = tpu.memref_slice %arg6[%dma_start3A_198, %dma_start3A_210, %dma_start3A_211, %dma_start3A_212] : memref<2x5x128x64xf32, #tpu.memory_space<vmem>> -> memref<1x5x128x64xf32, #tpu.memory_space<vmem>>
    %dma_start3A_214 = tpu.memref_squeeze %dma_start3A_213 : memref<1x5x128x64xf32, #tpu.memory_space<vmem>> -> memref<5x128x64xf32, #tpu.memory_space<vmem>>
    tpu.enqueue_dma source(%dma_start3A_214 : memref<5x128x64xf32, #tpu.memory_space<vmem>>) target(%dma_start3A_209 : memref<5x128x64xf32, #tpu.memory_space<hbm>>) target_semaphore(%arg9 : memref<!tpu.dma_semaphore, #tpu.memory_space<semaphore_mem>>)
    %scan3A = arith.constant 0 : i32
    %scan3A_215 = arith.constant 1 : i32
    %scan3A_216 = arith.constant 19 : i32
    %scan3A_217 = arith.addi %scan3A_215, %scan3A_216 : i32
    %scan3A_218 = arith.constant 1 : i32
    scf.for %scan3A_342 = %scan3A_215 to %scan3A_217 step %scan3A_218  : i32 {
      %mul3A_343 = arith.constant 2 : i32
      %mul3A_344 = arith.muli %scan3A_342, %mul3A_343 : i32
      %add3A_345 = arith.constant 0 : i32
      %add3A_346 = arith.addi %mul3A_344, %add3A_345 : i32
      %sub3A = arith.constant 2 : i32
      %sub3A_347 = arith.subi %add3A_346, %sub3A : i32
      %mul3A_348 = arith.constant 5 : i32
      %mul3A_349 = arith.muli %sub3A_347, %mul3A_348 : i32
      %add3A_350 = arith.addi %mul3A_2, %mul3A_349 : i32
      %dma_wait3A_351 = arith.constant 0 : i32
      %dma_wait3A_352 = arith.constant 0 : i32
      %dma_wait3A_353 = arith.constant 0 : i32
      %dma_wait3A_354 = arith.constant 0 : i32
      %dma_wait3A_355 = tpu.memref_slice %arg6[%dma_wait3A_351, %dma_wait3A_352, %dma_wait3A_353, %dma_wait3A_354] : memref<2x5x128x64xf32, #tpu.memory_space<vmem>> -> memref<1x5x128x64xf32, #tpu.memory_space<vmem>>
      %dma_wait3A_356 = tpu.memref_squeeze %dma_wait3A_355 : memref<1x5x128x64xf32, #tpu.memory_space<vmem>> -> memref<5x128x64xf32, #tpu.memory_space<vmem>>
      %dma_wait3A_357 = arith.constant 0 : i32
      %dma_wait3A_358 = arith.constant 0 : i32
      %dma_wait3A_359 = tpu.memref_slice %arg4[%add3A_350, %dma_wait3A_357, %dma_wait3A_358] : memref<6400x128x64xf32, #tpu.memory_space<hbm>> -> memref<5x128x64xf32, #tpu.memory_space<hbm>>
      %dma_wait3A_360 = arith.constant 0 : i32
      %dma_wait3A_361 = arith.constant 0 : i32
      %dma_wait3A_362 = tpu.memref_slice %arg4[%add3A_350, %dma_wait3A_360, %dma_wait3A_361] : memref<6400x128x64xf32, #tpu.memory_space<hbm>> -> memref<5x128x64xf32, #tpu.memory_space<hbm>>
      %dma_wait3A_363 = arith.constant 0 : i32
      %dma_wait3A_364 = arith.constant 0 : i32
      %dma_wait3A_365 = arith.constant 0 : i32
      %dma_wait3A_366 = tpu.memref_slice %arg6[%dma_wait3A_351, %dma_wait3A_363, %dma_wait3A_364, %dma_wait3A_365] : memref<2x5x128x64xf32, #tpu.memory_space<vmem>> -> memref<1x5x128x64xf32, #tpu.memory_space<vmem>>
      %dma_wait3A_367 = tpu.memref_squeeze %dma_wait3A_366 : memref<1x5x128x64xf32, #tpu.memory_space<vmem>> -> memref<5x128x64xf32, #tpu.memory_space<vmem>>
      tpu.wait_dma2 semaphore(%arg9 : memref<!tpu.dma_semaphore, #tpu.memory_space<semaphore_mem>>) src(%dma_wait3A_367 : memref<5x128x64xf32, #tpu.memory_space<vmem>>) dst(%dma_wait3A_362 : memref<5x128x64xf32, #tpu.memory_space<hbm>>)
      %mul3A_368 = arith.constant 5 : i32
      %mul3A_369 = arith.muli %add3A_346, %mul3A_368 : i32
      %add3A_370 = arith.constant 0 : i32
      %add3A_371 = arith.addi %mul3A_369, %add3A_370 : i32
      %dma_start3A_372 = arith.constant 0 : i32
      %dma_start3A_373 = arith.constant 0 : i32
      %dma_start3A_374 = arith.constant 0 : i32
      %dma_start3A_375 = arith.constant 0 : i32
      %dma_start3A_376 = tpu.memref_slice %arg6[%dma_start3A_372, %dma_start3A_373, %dma_start3A_374, %dma_start3A_375] : memref<2x5x128x64xf32, #tpu.memory_space<vmem>> -> memref<1x1x128x64xf32, #tpu.memory_space<vmem>>
      %dma_start3A_377 = tpu.memref_squeeze %dma_start3A_376 : memref<1x1x128x64xf32, #tpu.memory_space<vmem>> -> memref<128x64xf32, #tpu.memory_space<vmem>>
      %dma_start3A_378 = arith.constant 0 : i32
      %dma_start3A_379 = tpu.memref_slice %arg5[%add3A_371, %dma_start3A_378] : memref<200x128xi32, #tpu.memory_space<vmem>> -> memref<1x128xi32, #tpu.memory_space<vmem>>
      %dma_start3A_380 = tpu.memref_squeeze %dma_start3A_379 : memref<1x128xi32, #tpu.memory_space<vmem>> -> memref<128xi32, #tpu.memory_space<vmem>>
      %dma_start3A_381 = arith.constant 0 : i32
      %dma_start3A_382 = arith.constant 0 : i32
      %dma_start3A_383 = tpu.memref_slice %arg3[%dma_start3A_381, %dma_start3A_382] : memref<1000000x64xf32, #tpu.memory_space<hbm>> -> memref<1000000x64xf32, #tpu.memory_space<hbm>>
      tpu.enqueue_indirect_dma source(%dma_start3A_383 : memref<1000000x64xf32, #tpu.memory_space<hbm>>) target(%dma_start3A_377 : memref<128x64xf32, #tpu.memory_space<vmem>>) offsets(%dma_start3A_380 : memref<128xi32, #tpu.memory_space<vmem>>) semaphore(%arg7 : memref<!tpu.dma_semaphore, #tpu.memory_space<semaphore_mem>>)
      %mul3A_384 = arith.constant 5 : i32
      %mul3A_385 = arith.muli %add3A_346, %mul3A_384 : i32
      %add3A_386 = arith.constant 1 : i32
      %add3A_387 = arith.addi %mul3A_385, %add3A_386 : i32
      %dma_start3A_388 = arith.constant 0 : i32
      %dma_start3A_389 = arith.constant 1 : i32
      %dma_start3A_390 = arith.constant 0 : i32
      %dma_start3A_391 = arith.constant 0 : i32
      %dma_start3A_392 = tpu.memref_slice %arg6[%dma_start3A_388, %dma_start3A_389, %dma_start3A_390, %dma_start3A_391] : memref<2x5x128x64xf32, #tpu.memory_space<vmem>> -> memref<1x1x128x64xf32, #tpu.memory_space<vmem>>
      %dma_start3A_393 = tpu.memref_squeeze %dma_start3A_392 : memref<1x1x128x64xf32, #tpu.memory_space<vmem>> -> memref<128x64xf32, #tpu.memory_space<vmem>>
      %dma_start3A_394 = arith.constant 0 : i32
      %dma_start3A_395 = tpu.memref_slice %arg5[%add3A_387, %dma_start3A_394] : memref<200x128xi32, #tpu.memory_space<vmem>> -> memref<1x128xi32, #tpu.memory_space<vmem>>
      %dma_start3A_396 = tpu.memref_squeeze %dma_start3A_395 : memref<1x128xi32, #tpu.memory_space<vmem>> -> memref<128xi32, #tpu.memory_space<vmem>>
      %dma_start3A_397 = arith.constant 0 : i32
      %dma_start3A_398 = arith.constant 0 : i32
      %dma_start3A_399 = tpu.memref_slice %arg3[%dma_start3A_397, %dma_start3A_398] : memref<1000000x64xf32, #tpu.memory_space<hbm>> -> memref<1000000x64xf32, #tpu.memory_space<hbm>>
      tpu.enqueue_indirect_dma source(%dma_start3A_399 : memref<1000000x64xf32, #tpu.memory_space<hbm>>) target(%dma_start3A_393 : memref<128x64xf32, #tpu.memory_space<vmem>>) offsets(%dma_start3A_396 : memref<128xi32, #tpu.memory_space<vmem>>) semaphore(%arg7 : memref<!tpu.dma_semaphore, #tpu.memory_space<semaphore_mem>>)
      %mul3A_400 = arith.constant 5 : i32
      %mul3A_401 = arith.muli %add3A_346, %mul3A_400 : i32
      %add3A_402 = arith.constant 2 : i32
      %add3A_403 = arith.addi %mul3A_401, %add3A_402 : i32
      %dma_start3A_404 = arith.constant 0 : i32
      %dma_start3A_405 = arith.constant 2 : i32
      %dma_start3A_406 = arith.constant 0 : i32
      %dma_start3A_407 = arith.constant 0 : i32
      %dma_start3A_408 = tpu.memref_slice %arg6[%dma_start3A_404, %dma_start3A_405, %dma_start3A_406, %dma_start3A_407] : memref<2x5x128x64xf32, #tpu.memory_space<vmem>> -> memref<1x1x128x64xf32, #tpu.memory_space<vmem>>
      %dma_start3A_409 = tpu.memref_squeeze %dma_start3A_408 : memref<1x1x128x64xf32, #tpu.memory_space<vmem>> -> memref<128x64xf32, #tpu.memory_space<vmem>>
      %dma_start3A_410 = arith.constant 0 : i32
      %dma_start3A_411 = tpu.memref_slice %arg5[%add3A_403, %dma_start3A_410] : memref<200x128xi32, #tpu.memory_space<vmem>> -> memref<1x128xi32, #tpu.memory_space<vmem>>
      %dma_start3A_412 = tpu.memref_squeeze %dma_start3A_411 : memref<1x128xi32, #tpu.memory_space<vmem>> -> memref<128xi32, #tpu.memory_space<vmem>>
      %dma_start3A_413 = arith.constant 0 : i32
      %dma_start3A_414 = arith.constant 0 : i32
      %dma_start3A_415 = tpu.memref_slice %arg3[%dma_start3A_413, %dma_start3A_414] : memref<1000000x64xf32, #tpu.memory_space<hbm>> -> memref<1000000x64xf32, #tpu.memory_space<hbm>>
      tpu.enqueue_indirect_dma source(%dma_start3A_415 : memref<1000000x64xf32, #tpu.memory_space<hbm>>) target(%dma_start3A_409 : memref<128x64xf32, #tpu.memory_space<vmem>>) offsets(%dma_start3A_412 : memref<128xi32, #tpu.memory_space<vmem>>) semaphore(%arg7 : memref<!tpu.dma_semaphore, #tpu.memory_space<semaphore_mem>>)
      %mul3A_416 = arith.constant 5 : i32
      %mul3A_417 = arith.muli %add3A_346, %mul3A_416 : i32
      %add3A_418 = arith.constant 3 : i32
      %add3A_419 = arith.addi %mul3A_417, %add3A_418 : i32
      %dma_start3A_420 = arith.constant 0 : i32
      %dma_start3A_421 = arith.constant 3 : i32
      %dma_start3A_422 = arith.constant 0 : i32
      %dma_start3A_423 = arith.constant 0 : i32
      %dma_start3A_424 = tpu.memref_slice %arg6[%dma_start3A_420, %dma_start3A_421, %dma_start3A_422, %dma_start3A_423] : memref<2x5x128x64xf32, #tpu.memory_space<vmem>> -> memref<1x1x128x64xf32, #tpu.memory_space<vmem>>
      %dma_start3A_425 = tpu.memref_squeeze %dma_start3A_424 : memref<1x1x128x64xf32, #tpu.memory_space<vmem>> -> memref<128x64xf32, #tpu.memory_space<vmem>>
      %dma_start3A_426 = arith.constant 0 : i32
      %dma_start3A_427 = tpu.memref_slice %arg5[%add3A_419, %dma_start3A_426] : memref<200x128xi32, #tpu.memory_space<vmem>> -> memref<1x128xi32, #tpu.memory_space<vmem>>
      %dma_start3A_428 = tpu.memref_squeeze %dma_start3A_427 : memref<1x128xi32, #tpu.memory_space<vmem>> -> memref<128xi32, #tpu.memory_space<vmem>>
      %dma_start3A_429 = arith.constant 0 : i32
      %dma_start3A_430 = arith.constant 0 : i32
      %dma_start3A_431 = tpu.memref_slice %arg3[%dma_start3A_429, %dma_start3A_430] : memref<1000000x64xf32, #tpu.memory_space<hbm>> -> memref<1000000x64xf32, #tpu.memory_space<hbm>>
      tpu.enqueue_indirect_dma source(%dma_start3A_431 : memref<1000000x64xf32, #tpu.memory_space<hbm>>) target(%dma_start3A_425 : memref<128x64xf32, #tpu.memory_space<vmem>>) offsets(%dma_start3A_428 : memref<128xi32, #tpu.memory_space<vmem>>) semaphore(%arg7 : memref<!tpu.dma_semaphore, #tpu.memory_space<semaphore_mem>>)
      %mul3A_432 = arith.constant 5 : i32
      %mul3A_433 = arith.muli %add3A_346, %mul3A_432 : i32
      %add3A_434 = arith.constant 4 : i32
      %add3A_435 = arith.addi %mul3A_433, %add3A_434 : i32
      %dma_start3A_436 = arith.constant 0 : i32
      %dma_start3A_437 = arith.constant 4 : i32
      %dma_start3A_438 = arith.constant 0 : i32
      %dma_start3A_439 = arith.constant 0 : i32
      %dma_start3A_440 = tpu.memref_slice %arg6[%dma_start3A_436, %dma_start3A_437, %dma_start3A_438, %dma_start3A_439] : memref<2x5x128x64xf32, #tpu.memory_space<vmem>> -> memref<1x1x128x64xf32, #tpu.memory_space<vmem>>
      %dma_start3A_441 = tpu.memref_squeeze %dma_start3A_440 : memref<1x1x128x64xf32, #tpu.memory_space<vmem>> -> memref<128x64xf32, #tpu.memory_space<vmem>>
      %dma_start3A_442 = arith.constant 0 : i32
      %dma_start3A_443 = tpu.memref_slice %arg5[%add3A_435, %dma_start3A_442] : memref<200x128xi32, #tpu.memory_space<vmem>> -> memref<1x128xi32, #tpu.memory_space<vmem>>
      %dma_start3A_444 = tpu.memref_squeeze %dma_start3A_443 : memref<1x128xi32, #tpu.memory_space<vmem>> -> memref<128xi32, #tpu.memory_space<vmem>>
      %dma_start3A_445 = arith.constant 0 : i32
      %dma_start3A_446 = arith.constant 0 : i32
      %dma_start3A_447 = tpu.memref_slice %arg3[%dma_start3A_445, %dma_start3A_446] : memref<1000000x64xf32, #tpu.memory_space<hbm>> -> memref<1000000x64xf32, #tpu.memory_space<hbm>>
      tpu.enqueue_indirect_dma source(%dma_start3A_447 : memref<1000000x64xf32, #tpu.memory_space<hbm>>) target(%dma_start3A_441 : memref<128x64xf32, #tpu.memory_space<vmem>>) offsets(%dma_start3A_444 : memref<128xi32, #tpu.memory_space<vmem>>) semaphore(%arg7 : memref<!tpu.dma_semaphore, #tpu.memory_space<semaphore_mem>>)
      %sub3A_448 = arith.constant 1 : i32
      %sub3A_449 = arith.subi %add3A_346, %sub3A_448 : i32
      %mul3A_450 = arith.constant 5 : i32
      %mul3A_451 = arith.muli %sub3A_449, %mul3A_450 : i32
      %add3A_452 = arith.constant 0 : i32
      %add3A_453 = arith.addi %mul3A_451, %add3A_452 : i32
      %dma_wait3A_454 = arith.constant 1 : i32
      %dma_wait3A_455 = arith.constant 0 : i32
      %dma_wait3A_456 = arith.constant 0 : i32
      %dma_wait3A_457 = arith.constant 0 : i32
      %dma_wait3A_458 = tpu.memref_slice %arg6[%dma_wait3A_454, %dma_wait3A_455, %dma_wait3A_456, %dma_wait3A_457] : memref<2x5x128x64xf32, #tpu.memory_space<vmem>> -> memref<1x1x128x64xf32, #tpu.memory_space<vmem>>
      %dma_wait3A_459 = tpu.memref_squeeze %dma_wait3A_458 : memref<1x1x128x64xf32, #tpu.memory_space<vmem>> -> memref<128x64xf32, #tpu.memory_space<vmem>>
      %dma_wait3A_460 = arith.constant 0 : i32
      %dma_wait3A_461 = tpu.memref_slice %arg5[%add3A_453, %dma_wait3A_460] : memref<200x128xi32, #tpu.memory_space<vmem>> -> memref<1x128xi32, #tpu.memory_space<vmem>>
      %dma_wait3A_462 = tpu.memref_squeeze %dma_wait3A_461 : memref<1x128xi32, #tpu.memory_space<vmem>> -> memref<128xi32, #tpu.memory_space<vmem>>
      %dma_wait3A_463 = arith.constant 0 : i32
      %dma_wait3A_464 = arith.constant 0 : i32
      %dma_wait3A_465 = tpu.memref_slice %arg3[%dma_wait3A_463, %dma_wait3A_464] : memref<1000000x64xf32, #tpu.memory_space<hbm>> -> memref<1000000x64xf32, #tpu.memory_space<hbm>>
      tpu.wait_indirect_dma semaphore(%arg8 : memref<!tpu.dma_semaphore, #tpu.memory_space<semaphore_mem>>) src(%dma_wait3A_465 : memref<1000000x64xf32, #tpu.memory_space<hbm>>) dst(%dma_wait3A_459 : memref<128x64xf32, #tpu.memory_space<vmem>>)
      %mul3A_466 = arith.constant 5 : i32
      %mul3A_467 = arith.muli %sub3A_449, %mul3A_466 : i32
      %add3A_468 = arith.constant 1 : i32
      %add3A_469 = arith.addi %mul3A_467, %add3A_468 : i32
      %dma_wait3A_470 = arith.constant 1 : i32
      %dma_wait3A_471 = arith.constant 1 : i32
      %dma_wait3A_472 = arith.constant 0 : i32
      %dma_wait3A_473 = arith.constant 0 : i32
      %dma_wait3A_474 = tpu.memref_slice %arg6[%dma_wait3A_470, %dma_wait3A_471, %dma_wait3A_472, %dma_wait3A_473] : memref<2x5x128x64xf32, #tpu.memory_space<vmem>> -> memref<1x1x128x64xf32, #tpu.memory_space<vmem>>
      %dma_wait3A_475 = tpu.memref_squeeze %dma_wait3A_474 : memref<1x1x128x64xf32, #tpu.memory_space<vmem>> -> memref<128x64xf32, #tpu.memory_space<vmem>>
      %dma_wait3A_476 = arith.constant 0 : i32
      %dma_wait3A_477 = tpu.memref_slice %arg5[%add3A_469, %dma_wait3A_476] : memref<200x128xi32, #tpu.memory_space<vmem>> -> memref<1x128xi32, #tpu.memory_space<vmem>>
      %dma_wait3A_478 = tpu.memref_squeeze %dma_wait3A_477 : memref<1x128xi32, #tpu.memory_space<vmem>> -> memref<128xi32, #tpu.memory_space<vmem>>
      %dma_wait3A_479 = arith.constant 0 : i32
      %dma_wait3A_480 = arith.constant 0 : i32
      %dma_wait3A_481 = tpu.memref_slice %arg3[%dma_wait3A_479, %dma_wait3A_480] : memref<1000000x64xf32, #tpu.memory_space<hbm>> -> memref<1000000x64xf32, #tpu.memory_space<hbm>>
      tpu.wait_indirect_dma semaphore(%arg8 : memref<!tpu.dma_semaphore, #tpu.memory_space<semaphore_mem>>) src(%dma_wait3A_481 : memref<1000000x64xf32, #tpu.memory_space<hbm>>) dst(%dma_wait3A_475 : memref<128x64xf32, #tpu.memory_space<vmem>>)
      %mul3A_482 = arith.constant 5 : i32
      %mul3A_483 = arith.muli %sub3A_449, %mul3A_482 : i32
      %add3A_484 = arith.constant 2 : i32
      %add3A_485 = arith.addi %mul3A_483, %add3A_484 : i32
      %dma_wait3A_486 = arith.constant 1 : i32
      %dma_wait3A_487 = arith.constant 2 : i32
      %dma_wait3A_488 = arith.constant 0 : i32
      %dma_wait3A_489 = arith.constant 0 : i32
      %dma_wait3A_490 = tpu.memref_slice %arg6[%dma_wait3A_486, %dma_wait3A_487, %dma_wait3A_488, %dma_wait3A_489] : memref<2x5x128x64xf32, #tpu.memory_space<vmem>> -> memref<1x1x128x64xf32, #tpu.memory_space<vmem>>
      %dma_wait3A_491 = tpu.memref_squeeze %dma_wait3A_490 : memref<1x1x128x64xf32, #tpu.memory_space<vmem>> -> memref<128x64xf32, #tpu.memory_space<vmem>>
      %dma_wait3A_492 = arith.constant 0 : i32
      %dma_wait3A_493 = tpu.memref_slice %arg5[%add3A_485, %dma_wait3A_492] : memref<200x128xi32, #tpu.memory_space<vmem>> -> memref<1x128xi32, #tpu.memory_space<vmem>>
      %dma_wait3A_494 = tpu.memref_squeeze %dma_wait3A_493 : memref<1x128xi32, #tpu.memory_space<vmem>> -> memref<128xi32, #tpu.memory_space<vmem>>
      %dma_wait3A_495 = arith.constant 0 : i32
      %dma_wait3A_496 = arith.constant 0 : i32
      %dma_wait3A_497 = tpu.memref_slice %arg3[%dma_wait3A_495, %dma_wait3A_496] : memref<1000000x64xf32, #tpu.memory_space<hbm>> -> memref<1000000x64xf32, #tpu.memory_space<hbm>>
      tpu.wait_indirect_dma semaphore(%arg8 : memref<!tpu.dma_semaphore, #tpu.memory_space<semaphore_mem>>) src(%dma_wait3A_497 : memref<1000000x64xf32, #tpu.memory_space<hbm>>) dst(%dma_wait3A_491 : memref<128x64xf32, #tpu.memory_space<vmem>>)
      %mul3A_498 = arith.constant 5 : i32
      %mul3A_499 = arith.muli %sub3A_449, %mul3A_498 : i32
      %add3A_500 = arith.constant 3 : i32
      %add3A_501 = arith.addi %mul3A_499, %add3A_500 : i32
      %dma_wait3A_502 = arith.constant 1 : i32
      %dma_wait3A_503 = arith.constant 3 : i32
      %dma_wait3A_504 = arith.constant 0 : i32
      %dma_wait3A_505 = arith.constant 0 : i32
      %dma_wait3A_506 = tpu.memref_slice %arg6[%dma_wait3A_502, %dma_wait3A_503, %dma_wait3A_504, %dma_wait3A_505] : memref<2x5x128x64xf32, #tpu.memory_space<vmem>> -> memref<1x1x128x64xf32, #tpu.memory_space<vmem>>
      %dma_wait3A_507 = tpu.memref_squeeze %dma_wait3A_506 : memref<1x1x128x64xf32, #tpu.memory_space<vmem>> -> memref<128x64xf32, #tpu.memory_space<vmem>>
      %dma_wait3A_508 = arith.constant 0 : i32
      %dma_wait3A_509 = tpu.memref_slice %arg5[%add3A_501, %dma_wait3A_508] : memref<200x128xi32, #tpu.memory_space<vmem>> -> memref<1x128xi32, #tpu.memory_space<vmem>>
      %dma_wait3A_510 = tpu.memref_squeeze %dma_wait3A_509 : memref<1x128xi32, #tpu.memory_space<vmem>> -> memref<128xi32, #tpu.memory_space<vmem>>
      %dma_wait3A_511 = arith.constant 0 : i32
      %dma_wait3A_512 = arith.constant 0 : i32
      %dma_wait3A_513 = tpu.memref_slice %arg3[%dma_wait3A_511, %dma_wait3A_512] : memref<1000000x64xf32, #tpu.memory_space<hbm>> -> memref<1000000x64xf32, #tpu.memory_space<hbm>>
      tpu.wait_indirect_dma semaphore(%arg8 : memref<!tpu.dma_semaphore, #tpu.memory_space<semaphore_mem>>) src(%dma_wait3A_513 : memref<1000000x64xf32, #tpu.memory_space<hbm>>) dst(%dma_wait3A_507 : memref<128x64xf32, #tpu.memory_space<vmem>>)
      %mul3A_514 = arith.constant 5 : i32
      %mul3A_515 = arith.muli %sub3A_449, %mul3A_514 : i32
      %add3A_516 = arith.constant 4 : i32
      %add3A_517 = arith.addi %mul3A_515, %add3A_516 : i32
      %dma_wait3A_518 = arith.constant 1 : i32
      %dma_wait3A_519 = arith.constant 4 : i32
      %dma_wait3A_520 = arith.constant 0 : i32
      %dma_wait3A_521 = arith.constant 0 : i32
      %dma_wait3A_522 = tpu.memref_slice %arg6[%dma_wait3A_518, %dma_wait3A_519, %dma_wait3A_520, %dma_wait3A_521] : memref<2x5x128x64xf32, #tpu.memory_space<vmem>> -> memref<1x1x128x64xf32, #tpu.memory_space<vmem>>
      %dma_wait3A_523 = tpu.memref_squeeze %dma_wait3A_522 : memref<1x1x128x64xf32, #tpu.memory_space<vmem>> -> memref<128x64xf32, #tpu.memory_space<vmem>>
      %dma_wait3A_524 = arith.constant 0 : i32
      %dma_wait3A_525 = tpu.memref_slice %arg5[%add3A_517, %dma_wait3A_524] : memref<200x128xi32, #tpu.memory_space<vmem>> -> memref<1x128xi32, #tpu.memory_space<vmem>>
      %dma_wait3A_526 = tpu.memref_squeeze %dma_wait3A_525 : memref<1x128xi32, #tpu.memory_space<vmem>> -> memref<128xi32, #tpu.memory_space<vmem>>
      %dma_wait3A_527 = arith.constant 0 : i32
      %dma_wait3A_528 = arith.constant 0 : i32
      %dma_wait3A_529 = tpu.memref_slice %arg3[%dma_wait3A_527, %dma_wait3A_528] : memref<1000000x64xf32, #tpu.memory_space<hbm>> -> memref<1000000x64xf32, #tpu.memory_space<hbm>>
      tpu.wait_indirect_dma semaphore(%arg8 : memref<!tpu.dma_semaphore, #tpu.memory_space<semaphore_mem>>) src(%dma_wait3A_529 : memref<1000000x64xf32, #tpu.memory_space<hbm>>) dst(%dma_wait3A_523 : memref<128x64xf32, #tpu.memory_space<vmem>>)
      %sub3A_530 = arith.constant 1 : i32
      %sub3A_531 = arith.subi %add3A_346, %sub3A_530 : i32
      %mul3A_532 = arith.constant 5 : i32
      %mul3A_533 = arith.muli %sub3A_531, %mul3A_532 : i32
      %add3A_534 = arith.addi %mul3A_2, %mul3A_533 : i32
      %dma_start3A_535 = arith.constant 1 : i32
      %dma_start3A_536 = arith.constant 0 : i32
      %dma_start3A_537 = arith.constant 0 : i32
      %dma_start3A_538 = arith.constant 0 : i32
      %dma_start3A_539 = tpu.memref_slice %arg6[%dma_start3A_535, %dma_start3A_536, %dma_start3A_537, %dma_start3A_538] : memref<2x5x128x64xf32, #tpu.memory_space<vmem>> -> memref<1x5x128x64xf32, #tpu.memory_space<vmem>>
      %dma_start3A_540 = tpu.memref_squeeze %dma_start3A_539 : memref<1x5x128x64xf32, #tpu.memory_space<vmem>> -> memref<5x128x64xf32, #tpu.memory_space<vmem>>
      %dma_start3A_541 = arith.constant 0 : i32
      %dma_start3A_542 = arith.constant 0 : i32
      %dma_start3A_543 = tpu.memref_slice %arg4[%add3A_534, %dma_start3A_541, %dma_start3A_542] : memref<6400x128x64xf32, #tpu.memory_space<hbm>> -> memref<5x128x64xf32, #tpu.memory_space<hbm>>
      %dma_start3A_544 = arith.constant 0 : i32
      %dma_start3A_545 = arith.constant 0 : i32
      %dma_start3A_546 = tpu.memref_slice %arg4[%add3A_534, %dma_start3A_544, %dma_start3A_545] : memref<6400x128x64xf32, #tpu.memory_space<hbm>> -> memref<5x128x64xf32, #tpu.memory_space<hbm>>
      %dma_start3A_547 = arith.constant 0 : i32
      %dma_start3A_548 = arith.constant 0 : i32
      %dma_start3A_549 = arith.constant 0 : i32
      %dma_start3A_550 = tpu.memref_slice %arg6[%dma_start3A_535, %dma_start3A_547, %dma_start3A_548, %dma_start3A_549] : memref<2x5x128x64xf32, #tpu.memory_space<vmem>> -> memref<1x5x128x64xf32, #tpu.memory_space<vmem>>
      %dma_start3A_551 = tpu.memref_squeeze %dma_start3A_550 : memref<1x5x128x64xf32, #tpu.memory_space<vmem>> -> memref<5x128x64xf32, #tpu.memory_space<vmem>>
      tpu.enqueue_dma source(%dma_start3A_551 : memref<5x128x64xf32, #tpu.memory_space<vmem>>) target(%dma_start3A_546 : memref<5x128x64xf32, #tpu.memory_space<hbm>>) target_semaphore(%arg10 : memref<!tpu.dma_semaphore, #tpu.memory_space<semaphore_mem>>)
      %mul3A_552 = arith.constant 2 : i32
      %mul3A_553 = arith.muli %scan3A_342, %mul3A_552 : i32
      %add3A_554 = arith.constant 1 : i32
      %add3A_555 = arith.addi %mul3A_553, %add3A_554 : i32
      %sub3A_556 = arith.constant 2 : i32
      %sub3A_557 = arith.subi %add3A_555, %sub3A_556 : i32
      %mul3A_558 = arith.constant 5 : i32
      %mul3A_559 = arith.muli %sub3A_557, %mul3A_558 : i32
      %add3A_560 = arith.addi %mul3A_2, %mul3A_559 : i32
      %dma_wait3A_561 = arith.constant 1 : i32
      %dma_wait3A_562 = arith.constant 0 : i32
      %dma_wait3A_563 = arith.constant 0 : i32
      %dma_wait3A_564 = arith.constant 0 : i32
      %dma_wait3A_565 = tpu.memref_slice %arg6[%dma_wait3A_561, %dma_wait3A_562, %dma_wait3A_563, %dma_wait3A_564] : memref<2x5x128x64xf32, #tpu.memory_space<vmem>> -> memref<1x5x128x64xf32, #tpu.memory_space<vmem>>
      %dma_wait3A_566 = tpu.memref_squeeze %dma_wait3A_565 : memref<1x5x128x64xf32, #tpu.memory_space<vmem>> -> memref<5x128x64xf32, #tpu.memory_space<vmem>>
      %dma_wait3A_567 = arith.constant 0 : i32
      %dma_wait3A_568 = arith.constant 0 : i32
      %dma_wait3A_569 = tpu.memref_slice %arg4[%add3A_560, %dma_wait3A_567, %dma_wait3A_568] : memref<6400x128x64xf32, #tpu.memory_space<hbm>> -> memref<5x128x64xf32, #tpu.memory_space<hbm>>
      %dma_wait3A_570 = arith.constant 0 : i32
      %dma_wait3A_571 = arith.constant 0 : i32
      %dma_wait3A_572 = tpu.memref_slice %arg4[%add3A_560, %dma_wait3A_570, %dma_wait3A_571] : memref<6400x128x64xf32, #tpu.memory_space<hbm>> -> memref<5x128x64xf32, #tpu.memory_space<hbm>>
      %dma_wait3A_573 = arith.constant 0 : i32
      %dma_wait3A_574 = arith.constant 0 : i32
      %dma_wait3A_575 = arith.constant 0 : i32
      %dma_wait3A_576 = tpu.memref_slice %arg6[%dma_wait3A_561, %dma_wait3A_573, %dma_wait3A_574, %dma_wait3A_575] : memref<2x5x128x64xf32, #tpu.memory_space<vmem>> -> memref<1x5x128x64xf32, #tpu.memory_space<vmem>>
      %dma_wait3A_577 = tpu.memref_squeeze %dma_wait3A_576 : memref<1x5x128x64xf32, #tpu.memory_space<vmem>> -> memref<5x128x64xf32, #tpu.memory_space<vmem>>
      tpu.wait_dma2 semaphore(%arg10 : memref<!tpu.dma_semaphore, #tpu.memory_space<semaphore_mem>>) src(%dma_wait3A_577 : memref<5x128x64xf32, #tpu.memory_space<vmem>>) dst(%dma_wait3A_572 : memref<5x128x64xf32, #tpu.memory_space<hbm>>)
      %mul3A_578 = arith.constant 5 : i32
      %mul3A_579 = arith.muli %add3A_555, %mul3A_578 : i32
      %add3A_580 = arith.constant 0 : i32
      %add3A_581 = arith.addi %mul3A_579, %add3A_580 : i32
      %dma_start3A_582 = arith.constant 1 : i32
      %dma_start3A_583 = arith.constant 0 : i32
      %dma_start3A_584 = arith.constant 0 : i32
      %dma_start3A_585 = arith.constant 0 : i32
      %dma_start3A_586 = tpu.memref_slice %arg6[%dma_start3A_582, %dma_start3A_583, %dma_start3A_584, %dma_start3A_585] : memref<2x5x128x64xf32, #tpu.memory_space<vmem>> -> memref<1x1x128x64xf32, #tpu.memory_space<vmem>>
      %dma_start3A_587 = tpu.memref_squeeze %dma_start3A_586 : memref<1x1x128x64xf32, #tpu.memory_space<vmem>> -> memref<128x64xf32, #tpu.memory_space<vmem>>
      %dma_start3A_588 = arith.constant 0 : i32
      %dma_start3A_589 = tpu.memref_slice %arg5[%add3A_581, %dma_start3A_588] : memref<200x128xi32, #tpu.memory_space<vmem>> -> memref<1x128xi32, #tpu.memory_space<vmem>>
      %dma_start3A_590 = tpu.memref_squeeze %dma_start3A_589 : memref<1x128xi32, #tpu.memory_space<vmem>> -> memref<128xi32, #tpu.memory_space<vmem>>
      %dma_start3A_591 = arith.constant 0 : i32
      %dma_start3A_592 = arith.constant 0 : i32
      %dma_start3A_593 = tpu.memref_slice %arg3[%dma_start3A_591, %dma_start3A_592] : memref<1000000x64xf32, #tpu.memory_space<hbm>> -> memref<1000000x64xf32, #tpu.memory_space<hbm>>
      tpu.enqueue_indirect_dma source(%dma_start3A_593 : memref<1000000x64xf32, #tpu.memory_space<hbm>>) target(%dma_start3A_587 : memref<128x64xf32, #tpu.memory_space<vmem>>) offsets(%dma_start3A_590 : memref<128xi32, #tpu.memory_space<vmem>>) semaphore(%arg8 : memref<!tpu.dma_semaphore, #tpu.memory_space<semaphore_mem>>)
      %mul3A_594 = arith.constant 5 : i32
      %mul3A_595 = arith.muli %add3A_555, %mul3A_594 : i32
      %add3A_596 = arith.constant 1 : i32
      %add3A_597 = arith.addi %mul3A_595, %add3A_596 : i32
      %dma_start3A_598 = arith.constant 1 : i32
      %dma_start3A_599 = arith.constant 1 : i32
      %dma_start3A_600 = arith.constant 0 : i32
      %dma_start3A_601 = arith.constant 0 : i32
      %dma_start3A_602 = tpu.memref_slice %arg6[%dma_start3A_598, %dma_start3A_599, %dma_start3A_600, %dma_start3A_601] : memref<2x5x128x64xf32, #tpu.memory_space<vmem>> -> memref<1x1x128x64xf32, #tpu.memory_space<vmem>>
      %dma_start3A_603 = tpu.memref_squeeze %dma_start3A_602 : memref<1x1x128x64xf32, #tpu.memory_space<vmem>> -> memref<128x64xf32, #tpu.memory_space<vmem>>
      %dma_start3A_604 = arith.constant 0 : i32
      %dma_start3A_605 = tpu.memref_slice %arg5[%add3A_597, %dma_start3A_604] : memref<200x128xi32, #tpu.memory_space<vmem>> -> memref<1x128xi32, #tpu.memory_space<vmem>>
      %dma_start3A_606 = tpu.memref_squeeze %dma_start3A_605 : memref<1x128xi32, #tpu.memory_space<vmem>> -> memref<128xi32, #tpu.memory_space<vmem>>
      %dma_start3A_607 = arith.constant 0 : i32
      %dma_start3A_608 = arith.constant 0 : i32
      %dma_start3A_609 = tpu.memref_slice %arg3[%dma_start3A_607, %dma_start3A_608] : memref<1000000x64xf32, #tpu.memory_space<hbm>> -> memref<1000000x64xf32, #tpu.memory_space<hbm>>
      tpu.enqueue_indirect_dma source(%dma_start3A_609 : memref<1000000x64xf32, #tpu.memory_space<hbm>>) target(%dma_start3A_603 : memref<128x64xf32, #tpu.memory_space<vmem>>) offsets(%dma_start3A_606 : memref<128xi32, #tpu.memory_space<vmem>>) semaphore(%arg8 : memref<!tpu.dma_semaphore, #tpu.memory_space<semaphore_mem>>)
      %mul3A_610 = arith.constant 5 : i32
      %mul3A_611 = arith.muli %add3A_555, %mul3A_610 : i32
      %add3A_612 = arith.constant 2 : i32
      %add3A_613 = arith.addi %mul3A_611, %add3A_612 : i32
      %dma_start3A_614 = arith.constant 1 : i32
      %dma_start3A_615 = arith.constant 2 : i32
      %dma_start3A_616 = arith.constant 0 : i32
      %dma_start3A_617 = arith.constant 0 : i32
      %dma_start3A_618 = tpu.memref_slice %arg6[%dma_start3A_614, %dma_start3A_615, %dma_start3A_616, %dma_start3A_617] : memref<2x5x128x64xf32, #tpu.memory_space<vmem>> -> memref<1x1x128x64xf32, #tpu.memory_space<vmem>>
      %dma_start3A_619 = tpu.memref_squeeze %dma_start3A_618 : memref<1x1x128x64xf32, #tpu.memory_space<vmem>> -> memref<128x64xf32, #tpu.memory_space<vmem>>
      %dma_start3A_620 = arith.constant 0 : i32
      %dma_start3A_621 = tpu.memref_slice %arg5[%add3A_613, %dma_start3A_620] : memref<200x128xi32, #tpu.memory_space<vmem>> -> memref<1x128xi32, #tpu.memory_space<vmem>>
      %dma_start3A_622 = tpu.memref_squeeze %dma_start3A_621 : memref<1x128xi32, #tpu.memory_space<vmem>> -> memref<128xi32, #tpu.memory_space<vmem>>
      %dma_start3A_623 = arith.constant 0 : i32
      %dma_start3A_624 = arith.constant 0 : i32
      %dma_start3A_625 = tpu.memref_slice %arg3[%dma_start3A_623, %dma_start3A_624] : memref<1000000x64xf32, #tpu.memory_space<hbm>> -> memref<1000000x64xf32, #tpu.memory_space<hbm>>
      tpu.enqueue_indirect_dma source(%dma_start3A_625 : memref<1000000x64xf32, #tpu.memory_space<hbm>>) target(%dma_start3A_619 : memref<128x64xf32, #tpu.memory_space<vmem>>) offsets(%dma_start3A_622 : memref<128xi32, #tpu.memory_space<vmem>>) semaphore(%arg8 : memref<!tpu.dma_semaphore, #tpu.memory_space<semaphore_mem>>)
      %mul3A_626 = arith.constant 5 : i32
      %mul3A_627 = arith.muli %add3A_555, %mul3A_626 : i32
      %add3A_628 = arith.constant 3 : i32
      %add3A_629 = arith.addi %mul3A_627, %add3A_628 : i32
      %dma_start3A_630 = arith.constant 1 : i32
      %dma_start3A_631 = arith.constant 3 : i32
      %dma_start3A_632 = arith.constant 0 : i32
      %dma_start3A_633 = arith.constant 0 : i32
      %dma_start3A_634 = tpu.memref_slice %arg6[%dma_start3A_630, %dma_start3A_631, %dma_start3A_632, %dma_start3A_633] : memref<2x5x128x64xf32, #tpu.memory_space<vmem>> -> memref<1x1x128x64xf32, #tpu.memory_space<vmem>>
      %dma_start3A_635 = tpu.memref_squeeze %dma_start3A_634 : memref<1x1x128x64xf32, #tpu.memory_space<vmem>> -> memref<128x64xf32, #tpu.memory_space<vmem>>
      %dma_start3A_636 = arith.constant 0 : i32
      %dma_start3A_637 = tpu.memref_slice %arg5[%add3A_629, %dma_start3A_636] : memref<200x128xi32, #tpu.memory_space<vmem>> -> memref<1x128xi32, #tpu.memory_space<vmem>>
      %dma_start3A_638 = tpu.memref_squeeze %dma_start3A_637 : memref<1x128xi32, #tpu.memory_space<vmem>> -> memref<128xi32, #tpu.memory_space<vmem>>
      %dma_start3A_639 = arith.constant 0 : i32
      %dma_start3A_640 = arith.constant 0 : i32
      %dma_start3A_641 = tpu.memref_slice %arg3[%dma_start3A_639, %dma_start3A_640] : memref<1000000x64xf32, #tpu.memory_space<hbm>> -> memref<1000000x64xf32, #tpu.memory_space<hbm>>
      tpu.enqueue_indirect_dma source(%dma_start3A_641 : memref<1000000x64xf32, #tpu.memory_space<hbm>>) target(%dma_start3A_635 : memref<128x64xf32, #tpu.memory_space<vmem>>) offsets(%dma_start3A_638 : memref<128xi32, #tpu.memory_space<vmem>>) semaphore(%arg8 : memref<!tpu.dma_semaphore, #tpu.memory_space<semaphore_mem>>)
      %mul3A_642 = arith.constant 5 : i32
      %mul3A_643 = arith.muli %add3A_555, %mul3A_642 : i32
      %add3A_644 = arith.constant 4 : i32
      %add3A_645 = arith.addi %mul3A_643, %add3A_644 : i32
      %dma_start3A_646 = arith.constant 1 : i32
      %dma_start3A_647 = arith.constant 4 : i32
      %dma_start3A_648 = arith.constant 0 : i32
      %dma_start3A_649 = arith.constant 0 : i32
      %dma_start3A_650 = tpu.memref_slice %arg6[%dma_start3A_646, %dma_start3A_647, %dma_start3A_648, %dma_start3A_649] : memref<2x5x128x64xf32, #tpu.memory_space<vmem>> -> memref<1x1x128x64xf32, #tpu.memory_space<vmem>>
      %dma_start3A_651 = tpu.memref_squeeze %dma_start3A_650 : memref<1x1x128x64xf32, #tpu.memory_space<vmem>> -> memref<128x64xf32, #tpu.memory_space<vmem>>
      %dma_start3A_652 = arith.constant 0 : i32
      %dma_start3A_653 = tpu.memref_slice %arg5[%add3A_645, %dma_start3A_652] : memref<200x128xi32, #tpu.memory_space<vmem>> -> memref<1x128xi32, #tpu.memory_space<vmem>>
      %dma_start3A_654 = tpu.memref_squeeze %dma_start3A_653 : memref<1x128xi32, #tpu.memory_space<vmem>> -> memref<128xi32, #tpu.memory_space<vmem>>
      %dma_start3A_655 = arith.constant 0 : i32
      %dma_start3A_656 = arith.constant 0 : i32
      %dma_start3A_657 = tpu.memref_slice %arg3[%dma_start3A_655, %dma_start3A_656] : memref<1000000x64xf32, #tpu.memory_space<hbm>> -> memref<1000000x64xf32, #tpu.memory_space<hbm>>
      tpu.enqueue_indirect_dma source(%dma_start3A_657 : memref<1000000x64xf32, #tpu.memory_space<hbm>>) target(%dma_start3A_651 : memref<128x64xf32, #tpu.memory_space<vmem>>) offsets(%dma_start3A_654 : memref<128xi32, #tpu.memory_space<vmem>>) semaphore(%arg8 : memref<!tpu.dma_semaphore, #tpu.memory_space<semaphore_mem>>)
      %sub3A_658 = arith.constant 1 : i32
      %sub3A_659 = arith.subi %add3A_555, %sub3A_658 : i32
      %mul3A_660 = arith.constant 5 : i32
      %mul3A_661 = arith.muli %sub3A_659, %mul3A_660 : i32
      %add3A_662 = arith.constant 0 : i32
      %add3A_663 = arith.addi %mul3A_661, %add3A_662 : i32
      %dma_wait3A_664 = arith.constant 0 : i32
      %dma_wait3A_665 = arith.constant 0 : i32
      %dma_wait3A_666 = arith.constant 0 : i32
      %dma_wait3A_667 = arith.constant 0 : i32
      %dma_wait3A_668 = tpu.memref_slice %arg6[%dma_wait3A_664, %dma_wait3A_665, %dma_wait3A_666, %dma_wait3A_667] : memref<2x5x128x64xf32, #tpu.memory_space<vmem>> -> memref<1x1x128x64xf32, #tpu.memory_space<vmem>>
      %dma_wait3A_669 = tpu.memref_squeeze %dma_wait3A_668 : memref<1x1x128x64xf32, #tpu.memory_space<vmem>> -> memref<128x64xf32, #tpu.memory_space<vmem>>
      %dma_wait3A_670 = arith.constant 0 : i32
      %dma_wait3A_671 = tpu.memref_slice %arg5[%add3A_663, %dma_wait3A_670] : memref<200x128xi32, #tpu.memory_space<vmem>> -> memref<1x128xi32, #tpu.memory_space<vmem>>
      %dma_wait3A_672 = tpu.memref_squeeze %dma_wait3A_671 : memref<1x128xi32, #tpu.memory_space<vmem>> -> memref<128xi32, #tpu.memory_space<vmem>>
      %dma_wait3A_673 = arith.constant 0 : i32
      %dma_wait3A_674 = arith.constant 0 : i32
      %dma_wait3A_675 = tpu.memref_slice %arg3[%dma_wait3A_673, %dma_wait3A_674] : memref<1000000x64xf32, #tpu.memory_space<hbm>> -> memref<1000000x64xf32, #tpu.memory_space<hbm>>
      tpu.wait_indirect_dma semaphore(%arg7 : memref<!tpu.dma_semaphore, #tpu.memory_space<semaphore_mem>>) src(%dma_wait3A_675 : memref<1000000x64xf32, #tpu.memory_space<hbm>>) dst(%dma_wait3A_669 : memref<128x64xf32, #tpu.memory_space<vmem>>)
      %mul3A_676 = arith.constant 5 : i32
      %mul3A_677 = arith.muli %sub3A_659, %mul3A_676 : i32
      %add3A_678 = arith.constant 1 : i32
      %add3A_679 = arith.addi %mul3A_677, %add3A_678 : i32
      %dma_wait3A_680 = arith.constant 0 : i32
      %dma_wait3A_681 = arith.constant 1 : i32
      %dma_wait3A_682 = arith.constant 0 : i32
      %dma_wait3A_683 = arith.constant 0 : i32
      %dma_wait3A_684 = tpu.memref_slice %arg6[%dma_wait3A_680, %dma_wait3A_681, %dma_wait3A_682, %dma_wait3A_683] : memref<2x5x128x64xf32, #tpu.memory_space<vmem>> -> memref<1x1x128x64xf32, #tpu.memory_space<vmem>>
      %dma_wait3A_685 = tpu.memref_squeeze %dma_wait3A_684 : memref<1x1x128x64xf32, #tpu.memory_space<vmem>> -> memref<128x64xf32, #tpu.memory_space<vmem>>
      %dma_wait3A_686 = arith.constant 0 : i32
      %dma_wait3A_687 = tpu.memref_slice %arg5[%add3A_679, %dma_wait3A_686] : memref<200x128xi32, #tpu.memory_space<vmem>> -> memref<1x128xi32, #tpu.memory_space<vmem>>
      %dma_wait3A_688 = tpu.memref_squeeze %dma_wait3A_687 : memref<1x128xi32, #tpu.memory_space<vmem>> -> memref<128xi32, #tpu.memory_space<vmem>>
      %dma_wait3A_689 = arith.constant 0 : i32
      %dma_wait3A_690 = arith.constant 0 : i32
      %dma_wait3A_691 = tpu.memref_slice %arg3[%dma_wait3A_689, %dma_wait3A_690] : memref<1000000x64xf32, #tpu.memory_space<hbm>> -> memref<1000000x64xf32, #tpu.memory_space<hbm>>
      tpu.wait_indirect_dma semaphore(%arg7 : memref<!tpu.dma_semaphore, #tpu.memory_space<semaphore_mem>>) src(%dma_wait3A_691 : memref<1000000x64xf32, #tpu.memory_space<hbm>>) dst(%dma_wait3A_685 : memref<128x64xf32, #tpu.memory_space<vmem>>)
      %mul3A_692 = arith.constant 5 : i32
      %mul3A_693 = arith.muli %sub3A_659, %mul3A_692 : i32
      %add3A_694 = arith.constant 2 : i32
      %add3A_695 = arith.addi %mul3A_693, %add3A_694 : i32
      %dma_wait3A_696 = arith.constant 0 : i32
      %dma_wait3A_697 = arith.constant 2 : i32
      %dma_wait3A_698 = arith.constant 0 : i32
      %dma_wait3A_699 = arith.constant 0 : i32
      %dma_wait3A_700 = tpu.memref_slice %arg6[%dma_wait3A_696, %dma_wait3A_697, %dma_wait3A_698, %dma_wait3A_699] : memref<2x5x128x64xf32, #tpu.memory_space<vmem>> -> memref<1x1x128x64xf32, #tpu.memory_space<vmem>>
      %dma_wait3A_701 = tpu.memref_squeeze %dma_wait3A_700 : memref<1x1x128x64xf32, #tpu.memory_space<vmem>> -> memref<128x64xf32, #tpu.memory_space<vmem>>
      %dma_wait3A_702 = arith.constant 0 : i32
      %dma_wait3A_703 = tpu.memref_slice %arg5[%add3A_695, %dma_wait3A_702] : memref<200x128xi32, #tpu.memory_space<vmem>> -> memref<1x128xi32, #tpu.memory_space<vmem>>
      %dma_wait3A_704 = tpu.memref_squeeze %dma_wait3A_703 : memref<1x128xi32, #tpu.memory_space<vmem>> -> memref<128xi32, #tpu.memory_space<vmem>>
      %dma_wait3A_705 = arith.constant 0 : i32
      %dma_wait3A_706 = arith.constant 0 : i32
      %dma_wait3A_707 = tpu.memref_slice %arg3[%dma_wait3A_705, %dma_wait3A_706] : memref<1000000x64xf32, #tpu.memory_space<hbm>> -> memref<1000000x64xf32, #tpu.memory_space<hbm>>
      tpu.wait_indirect_dma semaphore(%arg7 : memref<!tpu.dma_semaphore, #tpu.memory_space<semaphore_mem>>) src(%dma_wait3A_707 : memref<1000000x64xf32, #tpu.memory_space<hbm>>) dst(%dma_wait3A_701 : memref<128x64xf32, #tpu.memory_space<vmem>>)
      %mul3A_708 = arith.constant 5 : i32
      %mul3A_709 = arith.muli %sub3A_659, %mul3A_708 : i32
      %add3A_710 = arith.constant 3 : i32
      %add3A_711 = arith.addi %mul3A_709, %add3A_710 : i32
      %dma_wait3A_712 = arith.constant 0 : i32
      %dma_wait3A_713 = arith.constant 3 : i32
      %dma_wait3A_714 = arith.constant 0 : i32
      %dma_wait3A_715 = arith.constant 0 : i32
      %dma_wait3A_716 = tpu.memref_slice %arg6[%dma_wait3A_712, %dma_wait3A_713, %dma_wait3A_714, %dma_wait3A_715] : memref<2x5x128x64xf32, #tpu.memory_space<vmem>> -> memref<1x1x128x64xf32, #tpu.memory_space<vmem>>
      %dma_wait3A_717 = tpu.memref_squeeze %dma_wait3A_716 : memref<1x1x128x64xf32, #tpu.memory_space<vmem>> -> memref<128x64xf32, #tpu.memory_space<vmem>>
      %dma_wait3A_718 = arith.constant 0 : i32
      %dma_wait3A_719 = tpu.memref_slice %arg5[%add3A_711, %dma_wait3A_718] : memref<200x128xi32, #tpu.memory_space<vmem>> -> memref<1x128xi32, #tpu.memory_space<vmem>>
      %dma_wait3A_720 = tpu.memref_squeeze %dma_wait3A_719 : memref<1x128xi32, #tpu.memory_space<vmem>> -> memref<128xi32, #tpu.memory_space<vmem>>
      %dma_wait3A_721 = arith.constant 0 : i32
      %dma_wait3A_722 = arith.constant 0 : i32
      %dma_wait3A_723 = tpu.memref_slice %arg3[%dma_wait3A_721, %dma_wait3A_722] : memref<1000000x64xf32, #tpu.memory_space<hbm>> -> memref<1000000x64xf32, #tpu.memory_space<hbm>>
      tpu.wait_indirect_dma semaphore(%arg7 : memref<!tpu.dma_semaphore, #tpu.memory_space<semaphore_mem>>) src(%dma_wait3A_723 : memref<1000000x64xf32, #tpu.memory_space<hbm>>) dst(%dma_wait3A_717 : memref<128x64xf32, #tpu.memory_space<vmem>>)
      %mul3A_724 = arith.constant 5 : i32
      %mul3A_725 = arith.muli %sub3A_659, %mul3A_724 : i32
      %add3A_726 = arith.constant 4 : i32
      %add3A_727 = arith.addi %mul3A_725, %add3A_726 : i32
      %dma_wait3A_728 = arith.constant 0 : i32
      %dma_wait3A_729 = arith.constant 4 : i32
      %dma_wait3A_730 = arith.constant 0 : i32
      %dma_wait3A_731 = arith.constant 0 : i32
      %dma_wait3A_732 = tpu.memref_slice %arg6[%dma_wait3A_728, %dma_wait3A_729, %dma_wait3A_730, %dma_wait3A_731] : memref<2x5x128x64xf32, #tpu.memory_space<vmem>> -> memref<1x1x128x64xf32, #tpu.memory_space<vmem>>
      %dma_wait3A_733 = tpu.memref_squeeze %dma_wait3A_732 : memref<1x1x128x64xf32, #tpu.memory_space<vmem>> -> memref<128x64xf32, #tpu.memory_space<vmem>>
      %dma_wait3A_734 = arith.constant 0 : i32
      %dma_wait3A_735 = tpu.memref_slice %arg5[%add3A_727, %dma_wait3A_734] : memref<200x128xi32, #tpu.memory_space<vmem>> -> memref<1x128xi32, #tpu.memory_space<vmem>>
      %dma_wait3A_736 = tpu.memref_squeeze %dma_wait3A_735 : memref<1x128xi32, #tpu.memory_space<vmem>> -> memref<128xi32, #tpu.memory_space<vmem>>
      %dma_wait3A_737 = arith.constant 0 : i32
      %dma_wait3A_738 = arith.constant 0 : i32
      %dma_wait3A_739 = tpu.memref_slice %arg3[%dma_wait3A_737, %dma_wait3A_738] : memref<1000000x64xf32, #tpu.memory_space<hbm>> -> memref<1000000x64xf32, #tpu.memory_space<hbm>>
      tpu.wait_indirect_dma semaphore(%arg7 : memref<!tpu.dma_semaphore, #tpu.memory_space<semaphore_mem>>) src(%dma_wait3A_739 : memref<1000000x64xf32, #tpu.memory_space<hbm>>) dst(%dma_wait3A_733 : memref<128x64xf32, #tpu.memory_space<vmem>>)
      %sub3A_740 = arith.constant 1 : i32
      %sub3A_741 = arith.subi %add3A_555, %sub3A_740 : i32
      %mul3A_742 = arith.constant 5 : i32
      %mul3A_743 = arith.muli %sub3A_741, %mul3A_742 : i32
      %add3A_744 = arith.addi %mul3A_2, %mul3A_743 : i32
      %dma_start3A_745 = arith.constant 0 : i32
      %dma_start3A_746 = arith.constant 0 : i32
      %dma_start3A_747 = arith.constant 0 : i32
      %dma_start3A_748 = arith.constant 0 : i32
      %dma_start3A_749 = tpu.memref_slice %arg6[%dma_start3A_745, %dma_start3A_746, %dma_start3A_747, %dma_start3A_748] : memref<2x5x128x64xf32, #tpu.memory_space<vmem>> -> memref<1x5x128x64xf32, #tpu.memory_space<vmem>>
      %dma_start3A_750 = tpu.memref_squeeze %dma_start3A_749 : memref<1x5x128x64xf32, #tpu.memory_space<vmem>> -> memref<5x128x64xf32, #tpu.memory_space<vmem>>
      %dma_start3A_751 = arith.constant 0 : i32
      %dma_start3A_752 = arith.constant 0 : i32
      %dma_start3A_753 = tpu.memref_slice %arg4[%add3A_744, %dma_start3A_751, %dma_start3A_752] : memref<6400x128x64xf32, #tpu.memory_space<hbm>> -> memref<5x128x64xf32, #tpu.memory_space<hbm>>
      %dma_start3A_754 = arith.constant 0 : i32
      %dma_start3A_755 = arith.constant 0 : i32
      %dma_start3A_756 = tpu.memref_slice %arg4[%add3A_744, %dma_start3A_754, %dma_start3A_755] : memref<6400x128x64xf32, #tpu.memory_space<hbm>> -> memref<5x128x64xf32, #tpu.memory_space<hbm>>
      %dma_start3A_757 = arith.constant 0 : i32
      %dma_start3A_758 = arith.constant 0 : i32
      %dma_start3A_759 = arith.constant 0 : i32
      %dma_start3A_760 = tpu.memref_slice %arg6[%dma_start3A_745, %dma_start3A_757, %dma_start3A_758, %dma_start3A_759] : memref<2x5x128x64xf32, #tpu.memory_space<vmem>> -> memref<1x5x128x64xf32, #tpu.memory_space<vmem>>
      %dma_start3A_761 = tpu.memref_squeeze %dma_start3A_760 : memref<1x5x128x64xf32, #tpu.memory_space<vmem>> -> memref<5x128x64xf32, #tpu.memory_space<vmem>>
      tpu.enqueue_dma source(%dma_start3A_761 : memref<5x128x64xf32, #tpu.memory_space<vmem>>) target(%dma_start3A_756 : memref<5x128x64xf32, #tpu.memory_space<hbm>>) target_semaphore(%arg9 : memref<!tpu.dma_semaphore, #tpu.memory_space<semaphore_mem>>)
    }
    %scan3A_219 = arith.constant 19 : i32
    %dma_wait3A_220 = arith.constant 195 : i32
    %dma_wait3A_221 = arith.constant 1 : i32
    %dma_wait3A_222 = arith.constant 0 : i32
    %dma_wait3A_223 = arith.constant 0 : i32
    %dma_wait3A_224 = arith.constant 0 : i32
    %dma_wait3A_225 = tpu.memref_slice %arg6[%dma_wait3A_221, %dma_wait3A_222, %dma_wait3A_223, %dma_wait3A_224] : memref<2x5x128x64xf32, #tpu.memory_space<vmem>> -> memref<1x1x128x64xf32, #tpu.memory_space<vmem>>
    %dma_wait3A_226 = tpu.memref_squeeze %dma_wait3A_225 : memref<1x1x128x64xf32, #tpu.memory_space<vmem>> -> memref<128x64xf32, #tpu.memory_space<vmem>>
    %dma_wait3A_227 = arith.constant 0 : i32
    %dma_wait3A_228 = tpu.memref_slice %arg5[%dma_wait3A_220, %dma_wait3A_227] : memref<200x128xi32, #tpu.memory_space<vmem>> -> memref<1x128xi32, #tpu.memory_space<vmem>>
    %dma_wait3A_229 = tpu.memref_squeeze %dma_wait3A_228 : memref<1x128xi32, #tpu.memory_space<vmem>> -> memref<128xi32, #tpu.memory_space<vmem>>
    %dma_wait3A_230 = arith.constant 0 : i32
    %dma_wait3A_231 = arith.constant 0 : i32
    %dma_wait3A_232 = tpu.memref_slice %arg3[%dma_wait3A_230, %dma_wait3A_231] : memref<1000000x64xf32, #tpu.memory_space<hbm>> -> memref<1000000x64xf32, #tpu.memory_space<hbm>>
    tpu.wait_indirect_dma semaphore(%arg8 : memref<!tpu.dma_semaphore, #tpu.memory_space<semaphore_mem>>) src(%dma_wait3A_232 : memref<1000000x64xf32, #tpu.memory_space<hbm>>) dst(%dma_wait3A_226 : memref<128x64xf32, #tpu.memory_space<vmem>>)
    %dma_wait3A_233 = arith.constant 196 : i32
    %dma_wait3A_234 = arith.constant 1 : i32
    %dma_wait3A_235 = arith.constant 1 : i32
    %dma_wait3A_236 = arith.constant 0 : i32
    %dma_wait3A_237 = arith.constant 0 : i32
    %dma_wait3A_238 = tpu.memref_slice %arg6[%dma_wait3A_234, %dma_wait3A_235, %dma_wait3A_236, %dma_wait3A_237] : memref<2x5x128x64xf32, #tpu.memory_space<vmem>> -> memref<1x1x128x64xf32, #tpu.memory_space<vmem>>
    %dma_wait3A_239 = tpu.memref_squeeze %dma_wait3A_238 : memref<1x1x128x64xf32, #tpu.memory_space<vmem>> -> memref<128x64xf32, #tpu.memory_space<vmem>>
    %dma_wait3A_240 = arith.constant 0 : i32
    %dma_wait3A_241 = tpu.memref_slice %arg5[%dma_wait3A_233, %dma_wait3A_240] : memref<200x128xi32, #tpu.memory_space<vmem>> -> memref<1x128xi32, #tpu.memory_space<vmem>>
    %dma_wait3A_242 = tpu.memref_squeeze %dma_wait3A_241 : memref<1x128xi32, #tpu.memory_space<vmem>> -> memref<128xi32, #tpu.memory_space<vmem>>
    %dma_wait3A_243 = arith.constant 0 : i32
    %dma_wait3A_244 = arith.constant 0 : i32
    %dma_wait3A_245 = tpu.memref_slice %arg3[%dma_wait3A_243, %dma_wait3A_244] : memref<1000000x64xf32, #tpu.memory_space<hbm>> -> memref<1000000x64xf32, #tpu.memory_space<hbm>>
    tpu.wait_indirect_dma semaphore(%arg8 : memref<!tpu.dma_semaphore, #tpu.memory_space<semaphore_mem>>) src(%dma_wait3A_245 : memref<1000000x64xf32, #tpu.memory_space<hbm>>) dst(%dma_wait3A_239 : memref<128x64xf32, #tpu.memory_space<vmem>>)
    %dma_wait3A_246 = arith.constant 197 : i32
    %dma_wait3A_247 = arith.constant 1 : i32
    %dma_wait3A_248 = arith.constant 2 : i32
    %dma_wait3A_249 = arith.constant 0 : i32
    %dma_wait3A_250 = arith.constant 0 : i32
    %dma_wait3A_251 = tpu.memref_slice %arg6[%dma_wait3A_247, %dma_wait3A_248, %dma_wait3A_249, %dma_wait3A_250] : memref<2x5x128x64xf32, #tpu.memory_space<vmem>> -> memref<1x1x128x64xf32, #tpu.memory_space<vmem>>
    %dma_wait3A_252 = tpu.memref_squeeze %dma_wait3A_251 : memref<1x1x128x64xf32, #tpu.memory_space<vmem>> -> memref<128x64xf32, #tpu.memory_space<vmem>>
    %dma_wait3A_253 = arith.constant 0 : i32
    %dma_wait3A_254 = tpu.memref_slice %arg5[%dma_wait3A_246, %dma_wait3A_253] : memref<200x128xi32, #tpu.memory_space<vmem>> -> memref<1x128xi32, #tpu.memory_space<vmem>>
    %dma_wait3A_255 = tpu.memref_squeeze %dma_wait3A_254 : memref<1x128xi32, #tpu.memory_space<vmem>> -> memref<128xi32, #tpu.memory_space<vmem>>
    %dma_wait3A_256 = arith.constant 0 : i32
    %dma_wait3A_257 = arith.constant 0 : i32
    %dma_wait3A_258 = tpu.memref_slice %arg3[%dma_wait3A_256, %dma_wait3A_257] : memref<1000000x64xf32, #tpu.memory_space<hbm>> -> memref<1000000x64xf32, #tpu.memory_space<hbm>>
    tpu.wait_indirect_dma semaphore(%arg8 : memref<!tpu.dma_semaphore, #tpu.memory_space<semaphore_mem>>) src(%dma_wait3A_258 : memref<1000000x64xf32, #tpu.memory_space<hbm>>) dst(%dma_wait3A_252 : memref<128x64xf32, #tpu.memory_space<vmem>>)
    %dma_wait3A_259 = arith.constant 198 : i32
    %dma_wait3A_260 = arith.constant 1 : i32
    %dma_wait3A_261 = arith.constant 3 : i32
    %dma_wait3A_262 = arith.constant 0 : i32
    %dma_wait3A_263 = arith.constant 0 : i32
    %dma_wait3A_264 = tpu.memref_slice %arg6[%dma_wait3A_260, %dma_wait3A_261, %dma_wait3A_262, %dma_wait3A_263] : memref<2x5x128x64xf32, #tpu.memory_space<vmem>> -> memref<1x1x128x64xf32, #tpu.memory_space<vmem>>
    %dma_wait3A_265 = tpu.memref_squeeze %dma_wait3A_264 : memref<1x1x128x64xf32, #tpu.memory_space<vmem>> -> memref<128x64xf32, #tpu.memory_space<vmem>>
    %dma_wait3A_266 = arith.constant 0 : i32
    %dma_wait3A_267 = tpu.memref_slice %arg5[%dma_wait3A_259, %dma_wait3A_266] : memref<200x128xi32, #tpu.memory_space<vmem>> -> memref<1x128xi32, #tpu.memory_space<vmem>>
    %dma_wait3A_268 = tpu.memref_squeeze %dma_wait3A_267 : memref<1x128xi32, #tpu.memory_space<vmem>> -> memref<128xi32, #tpu.memory_space<vmem>>
    %dma_wait3A_269 = arith.constant 0 : i32
    %dma_wait3A_270 = arith.constant 0 : i32
    %dma_wait3A_271 = tpu.memref_slice %arg3[%dma_wait3A_269, %dma_wait3A_270] : memref<1000000x64xf32, #tpu.memory_space<hbm>> -> memref<1000000x64xf32, #tpu.memory_space<hbm>>
    tpu.wait_indirect_dma semaphore(%arg8 : memref<!tpu.dma_semaphore, #tpu.memory_space<semaphore_mem>>) src(%dma_wait3A_271 : memref<1000000x64xf32, #tpu.memory_space<hbm>>) dst(%dma_wait3A_265 : memref<128x64xf32, #tpu.memory_space<vmem>>)
    %dma_wait3A_272 = arith.constant 199 : i32
    %dma_wait3A_273 = arith.constant 1 : i32
    %dma_wait3A_274 = arith.constant 4 : i32
    %dma_wait3A_275 = arith.constant 0 : i32
    %dma_wait3A_276 = arith.constant 0 : i32
    %dma_wait3A_277 = tpu.memref_slice %arg6[%dma_wait3A_273, %dma_wait3A_274, %dma_wait3A_275, %dma_wait3A_276] : memref<2x5x128x64xf32, #tpu.memory_space<vmem>> -> memref<1x1x128x64xf32, #tpu.memory_space<vmem>>
    %dma_wait3A_278 = tpu.memref_squeeze %dma_wait3A_277 : memref<1x1x128x64xf32, #tpu.memory_space<vmem>> -> memref<128x64xf32, #tpu.memory_space<vmem>>
    %dma_wait3A_279 = arith.constant 0 : i32
    %dma_wait3A_280 = tpu.memref_slice %arg5[%dma_wait3A_272, %dma_wait3A_279] : memref<200x128xi32, #tpu.memory_space<vmem>> -> memref<1x128xi32, #tpu.memory_space<vmem>>
    %dma_wait3A_281 = tpu.memref_squeeze %dma_wait3A_280 : memref<1x128xi32, #tpu.memory_space<vmem>> -> memref<128xi32, #tpu.memory_space<vmem>>
    %dma_wait3A_282 = arith.constant 0 : i32
    %dma_wait3A_283 = arith.constant 0 : i32
    %dma_wait3A_284 = tpu.memref_slice %arg3[%dma_wait3A_282, %dma_wait3A_283] : memref<1000000x64xf32, #tpu.memory_space<hbm>> -> memref<1000000x64xf32, #tpu.memory_space<hbm>>
    tpu.wait_indirect_dma semaphore(%arg8 : memref<!tpu.dma_semaphore, #tpu.memory_space<semaphore_mem>>) src(%dma_wait3A_284 : memref<1000000x64xf32, #tpu.memory_space<hbm>>) dst(%dma_wait3A_278 : memref<128x64xf32, #tpu.memory_space<vmem>>)
    %add3A_285 = arith.constant 195 : i32
    %add3A_286 = arith.addi %mul3A_2, %add3A_285 : i32
    %dma_start3A_287 = arith.constant 1 : i32
    %dma_start3A_288 = arith.constant 0 : i32
    %dma_start3A_289 = arith.constant 0 : i32
    %dma_start3A_290 = arith.constant 0 : i32
    %dma_start3A_291 = tpu.memref_slice %arg6[%dma_start3A_287, %dma_start3A_288, %dma_start3A_289, %dma_start3A_290] : memref<2x5x128x64xf32, #tpu.memory_space<vmem>> -> memref<1x5x128x64xf32, #tpu.memory_space<vmem>>
    %dma_start3A_292 = tpu.memref_squeeze %dma_start3A_291 : memref<1x5x128x64xf32, #tpu.memory_space<vmem>> -> memref<5x128x64xf32, #tpu.memory_space<vmem>>
    %dma_start3A_293 = arith.constant 0 : i32
    %dma_start3A_294 = arith.constant 0 : i32
    %dma_start3A_295 = tpu.memref_slice %arg4[%add3A_286, %dma_start3A_293, %dma_start3A_294] : memref<6400x128x64xf32, #tpu.memory_space<hbm>> -> memref<5x128x64xf32, #tpu.memory_space<hbm>>
    %dma_start3A_296 = arith.constant 0 : i32
    %dma_start3A_297 = arith.constant 0 : i32
    %dma_start3A_298 = tpu.memref_slice %arg4[%add3A_286, %dma_start3A_296, %dma_start3A_297] : memref<6400x128x64xf32, #tpu.memory_space<hbm>> -> memref<5x128x64xf32, #tpu.memory_space<hbm>>
    %dma_start3A_299 = arith.constant 0 : i32
    %dma_start3A_300 = arith.constant 0 : i32
    %dma_start3A_301 = arith.constant 0 : i32
    %dma_start3A_302 = tpu.memref_slice %arg6[%dma_start3A_287, %dma_start3A_299, %dma_start3A_300, %dma_start3A_301] : memref<2x5x128x64xf32, #tpu.memory_space<vmem>> -> memref<1x5x128x64xf32, #tpu.memory_space<vmem>>
    %dma_start3A_303 = tpu.memref_squeeze %dma_start3A_302 : memref<1x5x128x64xf32, #tpu.memory_space<vmem>> -> memref<5x128x64xf32, #tpu.memory_space<vmem>>
    tpu.enqueue_dma source(%dma_start3A_303 : memref<5x128x64xf32, #tpu.memory_space<vmem>>) target(%dma_start3A_298 : memref<5x128x64xf32, #tpu.memory_space<hbm>>) target_semaphore(%arg10 : memref<!tpu.dma_semaphore, #tpu.memory_space<semaphore_mem>>)
    %add3A_304 = arith.constant 190 : i32
    %add3A_305 = arith.addi %mul3A_2, %add3A_304 : i32
    %dma_wait3A_306 = arith.constant 0 : i32
    %dma_wait3A_307 = arith.constant 0 : i32
    %dma_wait3A_308 = arith.constant 0 : i32
    %dma_wait3A_309 = arith.constant 0 : i32
    %dma_wait3A_310 = tpu.memref_slice %arg6[%dma_wait3A_306, %dma_wait3A_307, %dma_wait3A_308, %dma_wait3A_309] : memref<2x5x128x64xf32, #tpu.memory_space<vmem>> -> memref<1x5x128x64xf32, #tpu.memory_space<vmem>>
    %dma_wait3A_311 = tpu.memref_squeeze %dma_wait3A_310 : memref<1x5x128x64xf32, #tpu.memory_space<vmem>> -> memref<5x128x64xf32, #tpu.memory_space<vmem>>
    %dma_wait3A_312 = arith.constant 0 : i32
    %dma_wait3A_313 = arith.constant 0 : i32
    %dma_wait3A_314 = tpu.memref_slice %arg4[%add3A_305, %dma_wait3A_312, %dma_wait3A_313] : memref<6400x128x64xf32, #tpu.memory_space<hbm>> -> memref<5x128x64xf32, #tpu.memory_space<hbm>>
    %dma_wait3A_315 = arith.constant 0 : i32
    %dma_wait3A_316 = arith.constant 0 : i32
    %dma_wait3A_317 = tpu.memref_slice %arg4[%add3A_305, %dma_wait3A_315, %dma_wait3A_316] : memref<6400x128x64xf32, #tpu.memory_space<hbm>> -> memref<5x128x64xf32, #tpu.memory_space<hbm>>
    %dma_wait3A_318 = arith.constant 0 : i32
    %dma_wait3A_319 = arith.constant 0 : i32
    %dma_wait3A_320 = arith.constant 0 : i32
    %dma_wait3A_321 = tpu.memref_slice %arg6[%dma_wait3A_306, %dma_wait3A_318, %dma_wait3A_319, %dma_wait3A_320] : memref<2x5x128x64xf32, #tpu.memory_space<vmem>> -> memref<1x5x128x64xf32, #tpu.memory_space<vmem>>
    %dma_wait3A_322 = tpu.memref_squeeze %dma_wait3A_321 : memref<1x5x128x64xf32, #tpu.memory_space<vmem>> -> memref<5x128x64xf32, #tpu.memory_space<vmem>>
    tpu.wait_dma2 semaphore(%arg9 : memref<!tpu.dma_semaphore, #tpu.memory_space<semaphore_mem>>) src(%dma_wait3A_322 : memref<5x128x64xf32, #tpu.memory_space<vmem>>) dst(%dma_wait3A_317 : memref<5x128x64xf32, #tpu.memory_space<hbm>>)
    %add3A_323 = arith.constant 195 : i32
    %add3A_324 = arith.addi %mul3A_2, %add3A_323 : i32
    %dma_wait3A_325 = arith.constant 1 : i32
    %dma_wait3A_326 = arith.constant 0 : i32
    %dma_wait3A_327 = arith.constant 0 : i32
    %dma_wait3A_328 = arith.constant 0 : i32
    %dma_wait3A_329 = tpu.memref_slice %arg6[%dma_wait3A_325, %dma_wait3A_326, %dma_wait3A_327, %dma_wait3A_328] : memref<2x5x128x64xf32, #tpu.memory_space<vmem>> -> memref<1x5x128x64xf32, #tpu.memory_space<vmem>>
    %dma_wait3A_330 = tpu.memref_squeeze %dma_wait3A_329 : memref<1x5x128x64xf32, #tpu.memory_space<vmem>> -> memref<5x128x64xf32, #tpu.memory_space<vmem>>
    %dma_wait3A_331 = arith.constant 0 : i32
    %dma_wait3A_332 = arith.constant 0 : i32
    %dma_wait3A_333 = tpu.memref_slice %arg4[%add3A_324, %dma_wait3A_331, %dma_wait3A_332] : memref<6400x128x64xf32, #tpu.memory_space<hbm>> -> memref<5x128x64xf32, #tpu.memory_space<hbm>>
    %dma_wait3A_334 = arith.constant 0 : i32
    %dma_wait3A_335 = arith.constant 0 : i32
    %dma_wait3A_336 = tpu.memref_slice %arg4[%add3A_324, %dma_wait3A_334, %dma_wait3A_335] : memref<6400x128x64xf32, #tpu.memory_space<hbm>> -> memref<5x128x64xf32, #tpu.memory_space<hbm>>
    %dma_wait3A_337 = arith.constant 0 : i32
    %dma_wait3A_338 = arith.constant 0 : i32
    %dma_wait3A_339 = arith.constant 0 : i32
    %dma_wait3A_340 = tpu.memref_slice %arg6[%dma_wait3A_325, %dma_wait3A_337, %dma_wait3A_338, %dma_wait3A_339] : memref<2x5x128x64xf32, #tpu.memory_space<vmem>> -> memref<1x5x128x64xf32, #tpu.memory_space<vmem>>
    %dma_wait3A_341 = tpu.memref_squeeze %dma_wait3A_340 : memref<1x5x128x64xf32, #tpu.memory_space<vmem>> -> memref<5x128x64xf32, #tpu.memory_space<vmem>>
    tpu.wait_dma2 semaphore(%arg10 : memref<!tpu.dma_semaphore, #tpu.memory_space<semaphore_mem>>) src(%dma_wait3A_341 : memref<5x128x64xf32, #tpu.memory_space<vmem>>) dst(%dma_wait3A_336 : memref<5x128x64xf32, #tpu.memory_space<hbm>>)
    return
  }
}

</mosaic_0001>

<sc_bundles>
// kernel: kernel.3.cloned.1.call-start
scs
__scs_entry_jumppad:
0x0: {  	(pc) =	sbr.rel $0x88, $3  }
0x1: {  	(tag) =	ssettag $0x0;
	lr =	simm.s32 $0x1  }
0x2: {  	[smem:$0x3F9F] =	sst lr;
	_ =	strace $0xD0000000  }
0x3: {  	_ = 	snop  }
0x4: {  	_ = 	snop  }
0x5: {  	_ = 	snop  }
0x6: {  	_ = 	snop  }
0x7: {  	_ = 	snop  }
__scs_overlays_trampoline_lowered:
0x8: {  	[smem:$0x3FAE] =	sst s0  }
0x9: {  	[smem:$0x3FAF] =	sst s1  }
0xa: {  	[smem:$0x3FB0] =	sst s2  }
0xb: {  	[smem:$0x3FB1] =	sst s3  }
0xc: {  	[smem:$0x3FB2] =	sst s4  }
0xd: {  	[smem:$0x3FB3] =	sst s5  }
0xe: {  	[smem:$0x3FB4] =	sst s6  }
0xf: {  	[smem:$0x3FB5] =	sst s7  }
0x10: {  	[smem:$0x3FB6] =	sst s8  }
0x11: {  	[smem:$0x3FB7] =	sst s9;
	s0 =	simm.s32 @!p0 $0x0  }
0x12: {  	s1 =	sld [smem:$0x3F9D];
	s0 =	simm.s32 @p0 $0x1  }
0x13: {  	[smem:$0x3FB8] =	sst s0;
	s0 =	simm.s32 @!p1 $0x0  }
0x14: {  	s2 =	sld [smem:$0x3F9C];
	s0 =	simm.s32 @p1 $0x1  }
0x15: {  	[smem:$0x3FB9] =	sst s0;
	s0 =	simm.s32 @!p2 $0x0  }
0x16: {  	s3 =	sld [smem:$0x3FDB];
	s0 =	simm.s32 @p2 $0x1  }
0x17: {  	s4 =	simm.s32 $0x1BF5;
	[smem:$0x3FBB] =	sst s0  }
0x18: {  	s0 =	sld [smem:$0x3F9E];
	_ =	swait.ge [sflag:s4], $0x0  }
0x19: {  	s7 =	sld [smem:$0x3F9F]  }
0x1a: {  	s8 =	sadd.s32 $0xFFFFE003, lr  }
0x1b: {  	s9 =	sadd.s32 $0xFFFFFEF7, lr;
	s5 =	simm.s32 $0xFFFFFFFF;
	p2 =	slt.u32 s8, $0xFFFFF086  }
0x1c: {  	p1 =	slt.u32 s9, $0xF7A;
	s5 =	simm.s32 @!p2 $0x0  }
0x1d: {  	s5 =	simm.s32 @p1 $0x1;
	p0 =	seq.s32 s7, s2  }
0x1e: {  	s7 =	smul.u32 @!p0 $0xF7A, s2;
	p2 =	seq.s32 @!p0 s5, $0x0  }
0x1f: {  	s9 =	smul.u32 $0xF7A, s1;
	s8 =	simm.s32 @!p0 $0x1BF5;
	p2 =	por !p2, p0  }
0x20: {  	[sflag:s8] =	ssyncset.s32 @!p0 $0xFFFFF086;
	s6 =	sadd.s32 @!p0 s3, s7;
	s7 =	simm.s32 @!p0 $0x108  }
0x21: {  	s3 =	sadd.s32 s3, s9;
	s6 =	sadd.s32 @!p0 $0x88, s6;
	s7 =	simm.s32 @p2 $0x1082  }
0x22: {  	[simem:s7], [sflag:s8] =	dma.local @!p0 [hbm:s6], $0xF7A  }
0x23: {  	s9 =	sor.u32 $0xD0000000, s2;
	s6 =	simm.s32 $0x108;
	_ =	swait.ge @!p0 [sflag:s8], $0x0  }
0x24: {  	s3 =	sadd.s32 $0x88, s3;
	s6 =	simm.s32 @!p1 $0x1082;
	[sflag:s4] =	ssyncset.s32 $0xFFFFF086  }
0x25: {  	[simem:s6], [sflag:s4] =	dma.local [hbm:s3], $0xF7A  }
0x26: {  	[smem:$0x3F9F] =	sst s1;
	(tag) =	ssettag s2;
	_ =	strace s9  }
0x27: {  	s1 =	sld [smem:$0x3FAF]  }
0x28: {  	s2 =	sld [smem:$0x3FB0]  }
0x29: {  	s4 =	sld [smem:$0x3FB2]  }
0x2a: {  	p0 =	seq.s32 s5, $0x0;
	s5 =	sld [smem:$0x3FB3]  }
0x2b: {  	s6 =	sld [smem:$0x3FB4]  }
0x2c: {  	s7 =	sld [smem:$0x3FB5]  }
0x2d: {  	s3 =	simm.s32 $0x108;
	s8 =	sld [smem:$0x3FB6]  }
0x2e: {  	s3 =	simm.s32 @!p0 $0x1082;
	s9 =	sld [smem:$0x3FB7]  }
0x2f: {  	lr =	sadd.s32 s0, s3;
	s0 =	sld [smem:$0x3FAE]  }
0x30: {  	s3 =	sld [smem:$0x3FB1]  }
0x31: {  	[smem:$0x3FBA] =	sst s10  }
0x32: {  	s10 =	sld [smem:$0x3FB8];
	_ =	sdelay $0x3  }
0x33: {  	p0 =	seq.s32 s10, $0x1;
	s10 =	sld [smem:$0x3FBA];
	_ =	sdelay $0x3  }
0x34: {  	[smem:$0x3FBA] =	sst s10  }
0x35: {  	s10 =	sld [smem:$0x3FB9];
	_ =	sdelay $0x3  }
0x36: {  	p1 =	seq.s32 s10, $0x1;
	s10 =	sld [smem:$0x3FBA];
	_ =	sdelay $0x3  }
0x37: {  	[smem:$0x3FBA] =	sst s10  }
0x38: {  	s10 =	sld [smem:$0x3FBB]  }
0x39: {  	_ = 	snop;
	(pc) =	sbr.ind lr, $3  }
0x3a: {  	_ = 	snop  }
0x3b: {  	_ = 	snop  }
0x3c: {  	p2 =	seq.s32 s10, $0x1;
	s10 =	sld [smem:$0x3FBA]  }
0x3d: {  	_ =	shalt  }
0x3e: {  	_ =	shalt  }
0x3f: {  	_ =	shalt  }
0x40: {  	_ =	shalt  }
0x41: {  	_ =	shalt  }
0x42: {  	_ =	shalt  }
0x43: {  	_ =	shalt  }
0x44: {  	_ =	shalt  }
0x45: {  	_ =	shalt  }
0x46: {  	_ =	shalt  }
0x47: {  	_ =	shalt  }
0x48: {  	_ =	shalt  }
0x49: {  	_ =	shalt  }
0x4a: {  	_ =	shalt  }
0x4b: {  	_ =	shalt  }
0x4c: {  	_ =	shalt  }
0x4d: {  	_ =	shalt  }
0x4e: {  	_ =	shalt  }
0x4f: {  	_ =	shalt  }
0x50: {  	_ =	shalt  }
0x51: {  	_ =	shalt  }
0x52: {  	_ =	shalt  }
0x53: {  	_ =	shalt  }
0x54: {  	_ =	shalt  }
0x55: {  	_ =	shalt  }
0x56: {  	_ =	shalt  }
0x57: {  	_ =	shalt  }
0x58: {  	_ =	shalt  }
0x59: {  	_ =	shalt  }
0x5a: {  	_ =	shalt  }
0x5b: {  	_ =	shalt  }
0x5c: {  	_ =	shalt  }
0x5d: {  	_ =	shalt  }
0x5e: {  	_ =	shalt  }
0x5f: {  	_ =	shalt  }
0x60: {  	_ =	shalt  }
0x61: {  	_ =	shalt  }
0x62: {  	_ =	shalt  }
0x63: {  	_ =	shalt  }
0x64: {  	_ =	shalt  }
0x65: {  	_ =	shalt  }
0x66: {  	_ =	shalt  }
0x67: {  	_ =	shalt  }
0x68: {  	_ =	shalt  }
0x69: {  	_ =	shalt  }
0x6a: {  	_ =	shalt  }
0x6b: {  	_ =	shalt  }
0x6c: {  	_ =	shalt  }
0x6d: {  	_ =	shalt  }
0x6e: {  	_ =	shalt  }
0x6f: {  	_ =	shalt  }
0x70: {  	_ =	shalt  }
0x71: {  	_ =	shalt  }
0x72: {  	_ =	shalt  }
0x73: {  	_ =	shalt  }
0x74: {  	_ =	shalt  }
0x75: {  	_ =	shalt  }
0x76: {  	_ =	shalt  }
0x77: {  	_ =	shalt  }
0x78: {  	_ =	shalt  }
0x79: {  	_ =	shalt  }
0x7a: {  	_ =	shalt  }
0x7b: {  	_ =	shalt  }
0x7c: {  	_ =	shalt  }
0x7d: {  	_ =	shalt  }
0x7e: {  	_ =	shalt  }
0x7f: {  	_ =	shalt  }
0x80: {  	_ =	shalt  }
0x81: {  	_ =	shalt  }
0x82: {  	_ =	shalt  }
0x83: {  	_ =	shalt  }
0x84: {  	_ =	shalt  }
0x85: {  	_ =	shalt  }
0x86: {  	_ =	shalt  }
0x87: {  	_ =	shalt  }
.Lfunc_end0:
.L_simem_size_0:
called_computation.1_lowered:
.L_overlay_start_0:
0x88: {  	s2 =	sld [smem:$0x3FD9]  }
0x89: {  	s3 =	sld [smem:$0x3FFE];
	_ =	sdelay $0x1  }
0x8a: {  	s1 =	srdreg.scid  }
0x8b: {  	s0 =	sand.u32 $0x1, s1  }
0x8c: {  	s17 =	sshll.u32 s0, $0xA;
	s2 =	sadd.s32 s3, s2  }
0x8d: {  	s2 =	sadd.s32 s2, s17  }
0x8e: {  	[smem:$0x3FC6] =	sst s2  }
0x8f: {  	_ = 	snop  }
0x90: {  	s2 =	sld [smem:$0x3FD0];
	(tm) =	ssettm $0x1  }
0x91: {  	s18 =	sld [smem:$0x3FFB];
	_ =	sdelay $0x3  }
0x92: {  	_ =	strace s18  }
0x93: {  	s3 =	sld [smem:$0x3FFC];
	_ =	sdelay $0x3  }
0x94: {  	_ =	strace s3  }
0x95: {  	s3 =	sld [smem:$0x3FFD];
	_ =	sdelay $0x3  }
0x96: {  	_ =	strace s3  }
0x97: {  	_ =	strace $0x8FFFFFFF  }
0x98: {  	s19 =	sld [smem:$0x3FDB];
	_ =	sdelay $0x1  }
0x99: {  	s4 =	simm.s32 $_scs_section_size  }
0x9a: {  	s5 =	simm.s32 $_size__tile_overlayer_lowered;
	s6 =	simm.s32 $_tile_overlayer_lowered  }
0x9b: {  	s22 =	simm.s32 $0x1BFF;
	s21 =	sshll.u32 s6, $0x1;
	s3 =	sadd.s32 s4, s19  }
0x9c: {  	s7 =	simm.s32 $0x0;
	s20 =	sshll.u32 s5, $0x1;
	s5 =	sadd.s32 s21, s3  }
0x9d: {  	[timem:s7], [sflag:s22] =	dma.local [hbm:s5], s20  }
0x9e: {  	_ =	swait.ge [sflag:s22], s20  }
0x9f: {  	s4 =	ssub.s32 $0x0, s20;
	[sflag:s22] =	ssyncset.done $0x0  }
0xa0: {  	[sflag:s22] =	ssyncadd.s32 s4;
	_ =	sdelay $0x1  }
0xa1: {  	s23 =	simm.s32 $0x1B8B  }
0xa2: {  	_ =	swait.ge [sflag:s23], $0x1  }
0xa3: {  	[sflag:s23] =	ssyncset.done $0x0  }
0xa4: {  	s25 =	simm.s32 $0x1B8E;
	s24 =	sld [smem:$0x3FFE];
	[sflag:s23] =	ssyncadd.s32 $0xFFFFFFFF  }
0xa5: {  	s26 =	simm.s32 $execute0_lowered;
	[smem:$0x3FD2] =	sst s25  }
0xa6: {  	s5 =	sshll.u32 s26, $0x1;
	_ =	strace $0x80000046;
	[dreg:$0x1] =	wrdreg $0xFFFFFFFF  }
0xa7: {  	s28 =	simm.s32 $_size_execute0_lowered;
	s3 =	sadd.s32 s3, s5;
	[dreg:$0x0] =	wrdreg $0x0  }
0xa8: {  	s5 =	sshll.u32 s28, $0x1;
	[dreg:$0x2] =	wrdreg s3  }
0xa9: {  	[dreg:$0x3] =	wrdreg s5  }
0xaa: {  	[dreg:$0x4] =	wrdreg $0xC0  }
0xab: {  	_ =	task [dreg:s7], $0x5FFFF  }
0xac: {  	[dreg:$0x1] =	wrdreg $0xFFFFFFFF  }
0xad: {  	[dreg:$0x0] =	wrdreg $0x60  }
0xae: {  	[dreg:$0x2] =	wrdreg s24  }
0xaf: {  	[dreg:$0x3] =	wrdreg s2  }
0xb0: {  	[dreg:$0x4] =	wrdreg $0x9  }
0xb1: {  	_ =	task.clear_ibuf [dreg:s7], $0x5FFFF;
	_ =	strace $0x90000046  }
0xb2: {  	s29 =	simm.s32 $0x9;
	_ =	strace $0x80000048  }
0xb3: {  	_ =	swait.ge [sflag:s29], $0x1  }
0xb4: {  	[sflag:s29] =	ssyncadd.s32 $0xFFFFFFFF  }
0xb5: {  	_ =	strace $0x90000048  }
0xb6: {  	_ =	sfence  }
0xb7: {  	s30 =	sld [smem:$0x0];
	_ =	sdelay $0x2  }
0xb8: {  	s31 =	sshll.u32 s1, $0xD;
	s1 =	sshrl.u32 s1, $0x2  }
0xb9: {  	s3 =	sand.u32 $0x4000, s31;
	s1 =	sadd.s32 s1, s30  }
0xba: {  	s0 =	sor.u32 s3, s0;
	s1 =	sshll.u32 s1, $0x11  }
0xbb: {  	s0 =	sor.u32 s1, s0  }
0xbc: {  	s0 =	sadd.s32 $0x8F2B, s0  }
0xbd: {  	[sflag:s0] =	ssyncadd.remote.s32 $0x1  }
0xbe: {  	_ =	sfence.sel $0xFFFF  }
0xbf: {  	[dreg:$0x0] =	wrdreg $0xFFFFFFFF;
	(pc) =	sbr.abs _section_cstart, $3  }
0xc0: {  	[dreg:$0x1] =	wrdreg $0xFFFFFFFF  }
0xc1: {  	_ =	task.clear_ibuf [dreg:s7], $0x2FFFF;
	_ =	strace $0x9FFFFFFF  }
0xc2: {  	(tm) =	ssettm $0x7FFFFFFF  }
0xc3: {  	_ =	shalt  }
tec
execute0_lowered:
.L_overlay_start_1:
0x0: {  	(tag) =	ssettag $0x1  }
0x1: {  	s0 =	srdreg.scid  }
0x2: {  	s7 =	stileid.u32;
	s1 =	rddreg [dreg:$0x0]  }
0x3: {  	s8 =	rddreg [dreg:$0x1];
	s11 =	simm.s32 $0x80;
	s12 =	simm.s32 $0x6400  }
0x4: {  	s13 =	simm.s32 $0x8400;
	s15 =	simm.s32 $0xA400;
	s17 =	simm.s32 $0xC400  }
0x5: {  	s19 =	simm.s32 $0xE400;
	s21 =	simm.s32 $0x10400;
	s23 =	simm.s32 $0x12400  }
0x6: {  	s28 =	simm.s32 $0x16400;
	s30 =	simm.s32 $0x18400;
	s31 =	simm.s32 $0x1  }
0x7: {  	s0 =	sand.u32 $0x1, s0;
	s2 =	sshll.u32 s7, $0x1;
	s7 =	smul.u32 $0x190, s7  }
0x8: {  	s4 =	sor.u32 s0, s2;
	s6 =	ssub.s32 $0x2, s0;
	s0 =	smul.u32 $0xC8, s0  }
0x9: {  	s14 =	simm.s32 $0x4;
	s2 =	simm.s32 $0x0;
	s3 =	smul.u32 $0xC80, s4  }
0xa: {  	s16 =	simm.s32 $0x0;
	[smem:$0x7FF] =	sst s2;
	s5 =	smul.u32 $0x190000, s4  }
0xb: {  	s10 =	sshrl.u32 s6, $0x1;
	s25 =	smul.u32 $0x32000, s4;
	_ =	strace $0x80000047  }
0xc: {  	s24 =	ssub.s32 s6, s10;
	s0 =	sadd.s32 s0, s7;
	s10 =	simm.s32 $0x5  }
0xd: {  	s9 =	sadd.s32 s3, s1;
	s3 =	sadd.s32 $0xF42E00, s1;
	s26 =	sshrl.u32 s5, $0x3  }
0xe: {  	s5 =	sadd.s32 s8, s25;
	s0 =	sshll.u32 s0, $0xA;
	s7 =	smax.u32 s24, $0x1  }
0xf: {  	s25 =	simm.s32 $0x14400;
	s1 =	simm.s32 $0x3;
	s29 =	sadd.s32 s8, s26  }
0x10: {  	s4 =	sadd.s32 $0xA00, s9;
	s0 =	sadd.s32 s0, s8;
	s6 =	sadd.s32 $0x30C00, s29  }
0x11: {  	s8 =	sadd.s32 $0x1400, s0;
	s24 =	sadd.s32 $0x2800, s0;
	s0 =	simm.s32 $0x2  }
.LBB2_1:
0x12: {  	[tilespmem:s2], [sflag:$0x5] =	stream.linear.gather [hbm4b:s4+s2], $0x6400, $0x38;
	[tilespmem:$0x1A400] =	vst v63  }
0x13: {  	_ =	swait.ge [sflag:s10], $0x6400  }
0x14: {  	[sflag:s10] =	ssyncset.done $0x0  }
0x15: {  	[sflag:s10] =	ssyncadd.s32 $0xFFFF9C00  }
0x16: {  	[tilespmem:s12], [sflag:$0x1] =	stream.indirect.gather [hbm4b:s3+s11], $0x40, s2, s11, $0xb8;
	[tilespmem:$0x1A400] =	vst v63  }
0x17: {  	_ = 	snop  }
0x18: {  	[tilespmem:s13], [sflag:$0x1] =	stream.indirect.gather [hbm4b:s3+s11], $0x40, s11, s11, $0xb8;
	[tilespmem:$0x1A400] =	vst v63  }
0x19: {  	s9 =	simm.s32 $0x100  }
0x1a: {  	[tilespmem:s15], [sflag:$0x1] =	stream.indirect.gather [hbm4b:s3+s11], $0x40, s9, s11, $0xb8;
	[tilespmem:$0x1A400] =	vst v63  }
0x1b: {  	s26 =	simm.s32 $0x180  }
0x1c: {  	[tilespmem:s17], [sflag:$0x1] =	stream.indirect.gather [hbm4b:s3+s11], $0x40, s26, s11, $0xb8;
	[tilespmem:$0x1A400] =	vst v63  }
0x1d: {  	s29 =	simm.s32 $0x200  }
0x1e: {  	[tilespmem:s19], [sflag:$0x1] =	stream.indirect.gather [hbm4b:s3+s11], $0x40, s29, s11, $0xb8;
	[tilespmem:$0x1A400] =	vst v63  }
0x1f: {  	s18 =	simm.s32 $0x280  }
0x20: {  	[tilespmem:s21], [sflag:$0x2] =	stream.indirect.gather [hbm4b:s3+s11], $0x40, s18, s11, $0xb8;
	[tilespmem:$0x1A400] =	vst v63  }
0x21: {  	s20 =	simm.s32 $0x300  }
0x22: {  	[tilespmem:s23], [sflag:$0x2] =	stream.indirect.gather [hbm4b:s3+s11], $0x40, s20, s11, $0xb8;
	[tilespmem:$0x1A400] =	vst v63  }
0x23: {  	s22 =	simm.s32 $0x380  }
0x24: {  	[tilespmem:s25], [sflag:$0x2] =	stream.indirect.gather [hbm4b:s3+s11], $0x40, s22, s11, $0xb8;
	[tilespmem:$0x1A400] =	vst v63  }
0x25: {  	s26 =	simm.s32 $0x400  }
0x26: {  	[tilespmem:s28], [sflag:$0x2] =	stream.indirect.gather [hbm4b:s3+s11], $0x40, s26, s11, $0xb8;
	[tilespmem:$0x1A400] =	vst v63  }
0x27: {  	s29 =	simm.s32 $0x480  }
0x28: {  	[tilespmem:s30], [sflag:$0x2] =	stream.indirect.gather [hbm4b:s3+s11], $0x40, s29, s11, $0xb8;
	[tilespmem:$0x1A400] =	vst v63  }
0x29: {  	_ =	swait.ge [sflag:s31], $0x2000  }
0x2a: {  	[sflag:s31] =	ssyncset.done $0x0  }
0x2b: {  	[sflag:s31] =	ssyncadd.s32 $0xFFFFE000  }
0x2c: {  	_ =	swait.ge [sflag:s31], $0x2000  }
0x2d: {  	[sflag:s31] =	ssyncset.done $0x0  }
0x2e: {  	[sflag:s31] =	ssyncadd.s32 $0xFFFFE000  }
0x2f: {  	_ =	swait.ge [sflag:s31], $0x2000  }
0x30: {  	[sflag:s31] =	ssyncset.done $0x0  }
0x31: {  	[sflag:s31] =	ssyncadd.s32 $0xFFFFE000  }
0x32: {  	_ =	swait.ge [sflag:s31], $0x2000  }
0x33: {  	[sflag:s31] =	ssyncset.done $0x0  }
0x34: {  	[sflag:s31] =	ssyncadd.s32 $0xFFFFE000  }
0x35: {  	_ =	swait.ge [sflag:s31], $0x2000  }
0x36: {  	[sflag:s31] =	ssyncset.done $0x0  }
0x37: {  	[sflag:s31] =	ssyncadd.s32 $0xFFFFE000  }
0x38: {  	[hbm4b:s5+s2] =	stream.linear.scatter [tilespmem:s12], [sflag:$0x3], $0xA000, $0x38;
	[tilespmem:$0x1A400] =	vst v63  }
0x39: {  	_ =	swait.ge [sflag:s1], $0xA000  }
0x3a: {  	[sflag:s1] =	ssyncset.done $0x0  }
0x3b: {  	s18 =	simm.s32 $0x500;
	[sflag:s1] =	ssyncadd.s32 $0xFFFF6000  }
0x3c: {  	[tilespmem:s12], [sflag:$0x1] =	stream.indirect.gather [hbm4b:s3+s11], $0x40, s18, s11, $0xb8;
	[tilespmem:$0x1A400] =	vst v63  }
0x3d: {  	s20 =	simm.s32 $0x580  }
0x3e: {  	[tilespmem:s13], [sflag:$0x1] =	stream.indirect.gather [hbm4b:s3+s11], $0x40, s20, s11, $0xb8;
	[tilespmem:$0x1A400] =	vst v63  }
0x3f: {  	s22 =	simm.s32 $0x600  }
0x40: {  	[tilespmem:s15], [sflag:$0x1] =	stream.indirect.gather [hbm4b:s3+s11], $0x40, s22, s11, $0xb8;
	[tilespmem:$0x1A400] =	vst v63  }
0x41: {  	s26 =	simm.s32 $0x680  }
0x42: {  	[tilespmem:s17], [sflag:$0x1] =	stream.indirect.gather [hbm4b:s3+s11], $0x40, s26, s11, $0xb8;
	[tilespmem:$0x1A400] =	vst v63  }
0x43: {  	s29 =	simm.s32 $0x700  }
0x44: {  	[tilespmem:s19], [sflag:$0x1] =	stream.indirect.gather [hbm4b:s3+s11], $0x40, s29, s11, $0xb8;
	[tilespmem:$0x1A400] =	vst v63  }
0x45: {  	_ =	swait.ge [sflag:s0], $0x2000  }
0x46: {  	[sflag:s0] =	ssyncset.done $0x0  }
0x47: {  	[sflag:s0] =	ssyncadd.s32 $0xFFFFE000  }
0x48: {  	_ =	swait.ge [sflag:s0], $0x2000  }
0x49: {  	[sflag:s0] =	ssyncset.done $0x0  }
0x4a: {  	[sflag:s0] =	ssyncadd.s32 $0xFFFFE000  }
0x4b: {  	_ =	swait.ge [sflag:s0], $0x2000  }
0x4c: {  	[sflag:s0] =	ssyncset.done $0x0  }
0x4d: {  	[sflag:s0] =	ssyncadd.s32 $0xFFFFE000  }
0x4e: {  	_ =	swait.ge [sflag:s0], $0x2000  }
0x4f: {  	[sflag:s0] =	ssyncset.done $0x0  }
0x50: {  	[sflag:s0] =	ssyncadd.s32 $0xFFFFE000  }
0x51: {  	_ =	swait.ge [sflag:s0], $0x2000  }
0x52: {  	[sflag:s0] =	ssyncset.done $0x0  }
0x53: {  	[sflag:s0] =	ssyncadd.s32 $0xFFFFE000  }
0x54: {  	[hbm4b:s8+s2] =	stream.linear.scatter [tilespmem:s21], [sflag:$0x4], $0xA000, $0x38;
	[tilespmem:$0x1A400] =	vst v63  }
0x55: {  	_ =	swait.ge [sflag:s14], $0xA000  }
0x56: {  	[sflag:s14] =	ssyncset.done $0x0  }
0x57: {  	s18 =	simm.s32 $0x780;
	[sflag:s14] =	ssyncadd.s32 $0xFFFF6000  }
0x58: {  	[tilespmem:s21], [sflag:$0x2] =	stream.indirect.gather [hbm4b:s3+s11], $0x40, s18, s11, $0xb8;
	[tilespmem:$0x1A400] =	vst v63  }
0x59: {  	s20 =	simm.s32 $0x800  }
0x5a: {  	[tilespmem:s23], [sflag:$0x2] =	stream.indirect.gather [hbm4b:s3+s11], $0x40, s20, s11, $0xb8;
	[tilespmem:$0x1A400] =	vst v63  }
0x5b: {  	s22 =	simm.s32 $0x880  }
0x5c: {  	[tilespmem:s25], [sflag:$0x2] =	stream.indirect.gather [hbm4b:s3+s11], $0x40, s22, s11, $0xb8;
	[tilespmem:$0x1A400] =	vst v63  }
0x5d: {  	s26 =	simm.s32 $0x900  }
0x5e: {  	[tilespmem:s28], [sflag:$0x2] =	stream.indirect.gather [hbm4b:s3+s11], $0x40, s26, s11, $0xb8;
	[tilespmem:$0x1A400] =	vst v63  }
0x5f: {  	s29 =	simm.s32 $0x980  }
0x60: {  	[tilespmem:s30], [sflag:$0x2] =	stream.indirect.gather [hbm4b:s3+s11], $0x40, s29, s11, $0xb8;
	[tilespmem:$0x1A400] =	vst v63  }
0x61: {  	_ =	swait.ge [sflag:s31], $0x2000  }
0x62: {  	[sflag:s31] =	ssyncset.done $0x0  }
0x63: {  	[sflag:s31] =	ssyncadd.s32 $0xFFFFE000  }
0x64: {  	_ =	swait.ge [sflag:s31], $0x2000  }
0x65: {  	[sflag:s31] =	ssyncset.done $0x0  }
0x66: {  	[sflag:s31] =	ssyncadd.s32 $0xFFFFE000  }
0x67: {  	_ =	swait.ge [sflag:s31], $0x2000  }
0x68: {  	[sflag:s31] =	ssyncset.done $0x0  }
0x69: {  	[sflag:s31] =	ssyncadd.s32 $0xFFFFE000  }
0x6a: {  	_ =	swait.ge [sflag:s31], $0x2000  }
0x6b: {  	[sflag:s31] =	ssyncset.done $0x0  }
0x6c: {  	[sflag:s31] =	ssyncadd.s32 $0xFFFFE000  }
0x6d: {  	_ =	swait.ge [sflag:s31], $0x2000  }
0x6e: {  	s9 =	smov.u32 s24;
	s18 =	simm.s32 $0x1400;
	[sflag:s31] =	ssyncset.done $0x0  }
0x6f: {  	s20 =	sadd.s32 $0x2800, s8;
	s22 =	sadd.s32 $0x2800, s24;
	[sflag:s31] =	ssyncadd.s32 $0xFFFFE000  }
.LBB2_2:
0x70: {  	[hbm4b:s9+s2] =	stream.linear.scatter [tilespmem:s12], [sflag:$0x3], $0xA000, $0x38;
	[tilespmem:$0x1A400] =	vst v63  }
0x71: {  	s26 =	smov.u32 s18;
	s9 =	smov.u32 s22  }
0x72: {  	p0 =	sne.s32 s18, $0x16800;
	s18 =	sadd.s32 $0x1400, s18;
	_ =	swait.ge [sflag:s1], $0xA000  }
0x73: {  	s26 =	sshra.s32 s26, $0x2;
	[sflag:s1] =	ssyncset.done $0x0  }
0x74: {  	s29 =	sadd.s32 $0x500, s26;
	[sflag:s1] =	ssyncadd.s32 $0xFFFF6000  }
0x75: {  	[tilespmem:s12], [sflag:$0x1] =	stream.indirect.gather [hbm4b:s3+s11], $0x40, s29, s11, $0xb8;
	[tilespmem:$0x1A400] =	vst v63  }
0x76: {  	s29 =	sadd.s32 $0x580, s26  }
0x77: {  	[tilespmem:s13], [sflag:$0x1] =	stream.indirect.gather [hbm4b:s3+s11], $0x40, s29, s11, $0xb8;
	[tilespmem:$0x1A400] =	vst v63  }
0x78: {  	s29 =	sadd.s32 $0x600, s26  }
0x79: {  	[tilespmem:s15], [sflag:$0x1] =	stream.indirect.gather [hbm4b:s3+s11], $0x40, s29, s11, $0xb8;
	[tilespmem:$0x1A400] =	vst v63  }
0x7a: {  	s29 =	sadd.s32 $0x680, s26  }
0x7b: {  	[tilespmem:s17], [sflag:$0x1] =	stream.indirect.gather [hbm4b:s3+s11], $0x40, s29, s11, $0xb8;
	[tilespmem:$0x1A400] =	vst v63  }
0x7c: {  	s29 =	sadd.s32 $0x700, s26  }
0x7d: {  	[tilespmem:s19], [sflag:$0x1] =	stream.indirect.gather [hbm4b:s3+s11], $0x40, s29, s11, $0xb8;
	[tilespmem:$0x1A400] =	vst v63  }
0x7e: {  	_ =	swait.ge [sflag:s0], $0x2000  }
0x7f: {  	[sflag:s0] =	ssyncset.done $0x0  }
0x80: {  	[sflag:s0] =	ssyncadd.s32 $0xFFFFE000  }
0x81: {  	_ =	swait.ge [sflag:s0], $0x2000  }
0x82: {  	[sflag:s0] =	ssyncset.done $0x0  }
0x83: {  	[sflag:s0] =	ssyncadd.s32 $0xFFFFE000  }
0x84: {  	_ =	swait.ge [sflag:s0], $0x2000  }
0x85: {  	[sflag:s0] =	ssyncset.done $0x0  }
0x86: {  	[sflag:s0] =	ssyncadd.s32 $0xFFFFE000  }
0x87: {  	_ =	swait.ge [sflag:s0], $0x2000  }
0x88: {  	[sflag:s0] =	ssyncset.done $0x0  }
0x89: {  	[sflag:s0] =	ssyncadd.s32 $0xFFFFE000  }
0x8a: {  	_ =	swait.ge [sflag:s0], $0x2000  }
0x8b: {  	[sflag:s0] =	ssyncset.done $0x0  }
0x8c: {  	[sflag:s0] =	ssyncadd.s32 $0xFFFFE000  }
0x8d: {  	[hbm4b:s20+s2] =	stream.linear.scatter [tilespmem:s21], [sflag:$0x4], $0xA000, $0x38;
	[tilespmem:$0x1A400] =	vst v63  }
0x8e: {  	_ =	swait.ge [sflag:s14], $0xA000  }
0x8f: {  	[sflag:s14] =	ssyncset.done $0x0  }
0x90: {  	s29 =	sadd.s32 $0x780, s26;
	[sflag:s14] =	ssyncadd.s32 $0xFFFF6000  }
0x91: {  	[tilespmem:s21], [sflag:$0x2] =	stream.indirect.gather [hbm4b:s3+s11], $0x40, s29, s11, $0xb8;
	[tilespmem:$0x1A400] =	vst v63  }
0x92: {  	s29 =	sadd.s32 $0x800, s26  }
0x93: {  	[tilespmem:s23], [sflag:$0x2] =	stream.indirect.gather [hbm4b:s3+s11], $0x40, s29, s11, $0xb8;
	[tilespmem:$0x1A400] =	vst v63  }
0x94: {  	s29 =	sadd.s32 $0x880, s26  }
0x95: {  	[tilespmem:s25], [sflag:$0x2] =	stream.indirect.gather [hbm4b:s3+s11], $0x40, s29, s11, $0xb8;
	[tilespmem:$0x1A400] =	vst v63  }
0x96: {  	s29 =	sadd.s32 $0x900, s26  }
0x97: {  	[tilespmem:s28], [sflag:$0x2] =	stream.indirect.gather [hbm4b:s3+s11], $0x40, s29, s11, $0xb8;
	[tilespmem:$0x1A400] =	vst v63  }
0x98: {  	s26 =	sadd.s32 $0x980, s26  }
0x99: {  	[tilespmem:s30], [sflag:$0x2] =	stream.indirect.gather [hbm4b:s3+s11], $0x40, s26, s11, $0xb8;
	[tilespmem:$0x1A400] =	vst v63  }
0x9a: {  	_ =	swait.ge [sflag:s31], $0x2000  }
0x9b: {  	[sflag:s31] =	ssyncset.done $0x0  }
0x9c: {  	[sflag:s31] =	ssyncadd.s32 $0xFFFFE000  }
0x9d: {  	_ =	swait.ge [sflag:s31], $0x2000  }
0x9e: {  	[sflag:s31] =	ssyncset.done $0x0  }
0x9f: {  	[sflag:s31] =	ssyncadd.s32 $0xFFFFE000  }
0xa0: {  	_ =	swait.ge [sflag:s31], $0x2000  }
0xa1: {  	[sflag:s31] =	ssyncset.done $0x0  }
0xa2: {  	[sflag:s31] =	ssyncadd.s32 $0xFFFFE000  }
0xa3: {  	_ =	swait.ge [sflag:s31], $0x2000  }
.Ltmp0:
0xa4: {  	[sflag:s31] =	ssyncset.done $0x0;
	(pc) =	sbr.rel @p0 .LBB2_2-.Ltmp0, $4  }
0xa5: {  	[sflag:s31] =	ssyncadd.s32 $0xFFFFE000  }
0xa6: {  	_ =	swait.ge [sflag:s31], $0x2000  }
0xa7: {  	[sflag:s31] =	ssyncset.done $0x0  }
0xa8: {  	s22 =	sadd.s32 $0x2800, s22;
	s20 =	sadd.s32 $0x2800, s20;
	[sflag:s31] =	ssyncadd.s32 $0xFFFFE000  }
0xa9: {  	[hbm4b:s9+s2] =	stream.linear.scatter [tilespmem:s12], [sflag:$0x3], $0xA000, $0x38;
	[tilespmem:$0x1A400] =	vst v63  }
0xaa: {  	_ =	swait.ge [sflag:s0], $0x2000  }
0xab: {  	[sflag:s0] =	ssyncset.done $0x0  }
0xac: {  	[sflag:s0] =	ssyncadd.s32 $0xFFFFE000  }
0xad: {  	_ =	swait.ge [sflag:s0], $0x2000  }
0xae: {  	[sflag:s0] =	ssyncset.done $0x0  }
0xaf: {  	[sflag:s0] =	ssyncadd.s32 $0xFFFFE000  }
0xb0: {  	_ =	swait.ge [sflag:s0], $0x2000  }
0xb1: {  	[sflag:s0] =	ssyncset.done $0x0  }
0xb2: {  	[sflag:s0] =	ssyncadd.s32 $0xFFFFE000  }
0xb3: {  	_ =	swait.ge [sflag:s0], $0x2000  }
0xb4: {  	[sflag:s0] =	ssyncset.done $0x0  }
0xb5: {  	[sflag:s0] =	ssyncadd.s32 $0xFFFFE000  }
0xb6: {  	_ =	swait.ge [sflag:s0], $0x2000  }
0xb7: {  	[sflag:s0] =	ssyncset.done $0x0  }
0xb8: {  	s16 =	sadd.s32 $0x1, s16;
	[sflag:s0] =	ssyncadd.s32 $0xFFFFE000  }
0xb9: {  	[hbm4b:s6+s2] =	stream.linear.scatter [tilespmem:s21], [sflag:$0x4], $0xA000, $0x38;
	[tilespmem:$0x1A400] =	vst v63  }
0xba: {  	p0 =	sne.s32 s16, s7;
	_ =	swait.ge [sflag:s1], $0xA000  }
.Ltmp1:
0xbb: {  	[sflag:s1] =	ssyncset.done $0x0;
	(pc) =	sbr.rel @p0 .LBB2_1-.Ltmp1, $4  }
0xbc: {  	[sflag:s1] =	ssyncadd.s32 $0xFFFF6000  }
0xbd: {  	_ =	swait.ge [sflag:s14], $0xA000  }
0xbe: {  	[sflag:s14] =	ssyncset.done $0x0  }
0xbf: {  	[sflag:s14] =	ssyncadd.s32 $0xFFFF6000  }
0xc0: {  	_ =	sfence.sel $0x180000  }
0xc1: {  	[bflag:$0x0] =	sbarrier.arrive $0xFFFF  }
0xc2: {  	_ =	strace $0x90000047  }
0xc3: {  	s0 =	stileid.u32;
	[bflag:$0x2] =	sbarrier.arrive $0xFFFF  }
0xc4: {  	p0 =	sne.s32 s0, $0x0;
	s0 =	rddreg [dreg:$0x2]  }
0xc5: {  	s0 =	sadd.s32 @!p0 $0x100000, s0  }
0xc6: {  	[sflag:s0] =	ssyncadd.tile.s32 @!p0 $0x1;
	_ =	shalt  }
.Lfunc_end2:
_tile_overlayer_lowered:
.L_overlay_start_2:
0xc7: {  	(tag) =	ssettag $0x2  }
0xc8: {  	s0 =	rddreg [dreg:$0x0];
	s2 =	stileid.u32  }
0xc9: {  	s1 =	rddreg [dreg:$0x1];
	p0 =	sne.s32 s2, $0x0  }
0xca: {  	s3 =	rddreg [dreg:$0x2];
	[bflag:$0x3] =	sbarrier.arrive $0xFFFF;
	s2 =	simm.s32 @!p0 $0x1C05  }
0xcb: {  	[timem:s3], [sflag:s2] =	dma.local @!p0 [hbm:s0], s1  }
0xcc: {  	s0 =	simm.s32 @!p0 $0x5  }
0xcd: {  	_ =	swait.ge @!p0 [sflag:s0], s1  }
0xce: {  	s1 =	ssub.s32 @!p0 $0x0, s1;
	[sflag:s0] =	ssyncset.done @!p0 $0x0  }
0xcf: {  	[sflag:s0] =	ssyncadd.s32 @!p0 s1  }
0xd0: {  	[bflag:$0x3] =	sbarrier.arrive $0xFFFF  }
0xd1: {  	_ =	shalt  }

// kernel: sparse-core-data-format-call.cloned.1.call-start
scs
called_computation_lowered:
.L_overlay_start_0:
0x0: {  	s2 =	sld [smem:$0x3FD9]  }
0x1: {  	s3 =	sld [smem:$0x3FFE];
	_ =	sdelay $0x1  }
0x2: {  	s1 =	srdreg.scid  }
0x3: {  	s0 =	sand.u32 $0x1, s1  }
0x4: {  	s18 =	sshll.u32 s0, $0xA;
	s2 =	sadd.s32 s3, s2  }
0x5: {  	s2 =	sadd.s32 s2, s18  }
0x6: {  	[smem:$0x3FC6] =	sst s2  }
0x7: {  	_ = 	snop  }
0x8: {  	s2 =	sld [smem:$0x3FD0];
	(tm) =	ssettm $0x1  }
0x9: {  	s19 =	sld [smem:$0x3FFB];
	_ =	sdelay $0x3  }
0xa: {  	_ =	strace s19  }
0xb: {  	s3 =	sld [smem:$0x3FFC];
	_ =	sdelay $0x3  }
0xc: {  	_ =	strace s3  }
0xd: {  	s3 =	sld [smem:$0x3FFD];
	_ =	sdelay $0x3  }
0xe: {  	_ =	strace s3  }
0xf: {  	_ =	strace $0x8FFFFFFF  }
0x10: {  	s20 =	sld [smem:$0x3FDB];
	_ =	sdelay $0x1  }
0x11: {  	s4 =	simm.s32 $_scs_section_size  }
0x12: {  	s5 =	simm.s32 $_size__tile_overlayer_lowered;
	s6 =	simm.s32 $_tile_overlayer_lowered  }
0x13: {  	s23 =	simm.s32 $0x1BFF;
	s22 =	sshll.u32 s6, $0x1;
	s3 =	sadd.s32 s4, s20  }
0x14: {  	s7 =	simm.s32 $0x0;
	s21 =	sshll.u32 s5, $0x1;
	s5 =	sadd.s32 s22, s3  }
0x15: {  	[timem:s7], [sflag:s23] =	dma.local [hbm:s5], s21  }
0x16: {  	_ =	swait.ge [sflag:s23], s21  }
0x17: {  	s4 =	ssub.s32 $0x0, s21;
	[sflag:s23] =	ssyncset.done $0x0  }
0x18: {  	[sflag:s23] =	ssyncadd.s32 s4;
	_ =	sdelay $0x1  }
0x19: {  	s24 =	simm.s32 $0x1B8B  }
0x1a: {  	_ =	swait.ge [sflag:s24], $0x1  }
0x1b: {  	[sflag:s24] =	ssyncset.done $0x0  }
0x1c: {  	s26 =	simm.s32 $0x1B8E;
	s25 =	sld [smem:$0x3FFE];
	[sflag:s24] =	ssyncadd.s32 $0xFFFFFFFF  }
0x1d: {  	s27 =	simm.s32 $execute0_lowered;
	[smem:$0x3FD2] =	sst s26  }
0x1e: {  	s5 =	sshll.u32 s27, $0x1;
	_ =	strace $0x80000049;
	[dreg:$0x1] =	wrdreg $0xFFFFFFFF  }
0x1f: {  	s28 =	simm.s32 $_size_execute0_lowered;
	s3 =	sadd.s32 s3, s5;
	[dreg:$0x0] =	wrdreg $0x0  }
0x20: {  	s5 =	sshll.u32 s28, $0x1;
	[dreg:$0x2] =	wrdreg s3  }
0x21: {  	[dreg:$0x3] =	wrdreg s5  }
0x22: {  	[dreg:$0x4] =	wrdreg $0xC0  }
0x23: {  	_ =	task [dreg:s7], $0x5FFFF  }
0x24: {  	[dreg:$0x1] =	wrdreg $0xFFFFFFFF  }
0x25: {  	[dreg:$0x0] =	wrdreg $0x60  }
0x26: {  	[dreg:$0x2] =	wrdreg s25  }
0x27: {  	[dreg:$0x3] =	wrdreg s2  }
0x28: {  	[dreg:$0x4] =	wrdreg $0x9  }
0x29: {  	_ =	task.clear_ibuf [dreg:s7], $0x5FFFF;
	_ =	strace $0x90000049  }
0x2a: {  	s29 =	simm.s32 $0x9;
	_ =	strace $0x8000004B  }
0x2b: {  	_ =	swait.ge [sflag:s29], $0x1  }
0x2c: {  	[sflag:s29] =	ssyncadd.s32 $0xFFFFFFFF  }
0x2d: {  	_ =	strace $0x9000004B  }
0x2e: {  	_ =	sfence  }
0x2f: {  	s30 =	sld [smem:$0x0];
	_ =	sdelay $0x2  }
0x30: {  	s31 =	sshll.u32 s1, $0xD;
	s1 =	sshrl.u32 s1, $0x2  }
0x31: {  	s3 =	sand.u32 $0x4000, s31;
	s1 =	sadd.s32 s1, s30  }
0x32: {  	s0 =	sor.u32 s3, s0;
	s1 =	sshll.u32 s1, $0x11  }
0x33: {  	s0 =	sor.u32 s1, s0  }
0x34: {  	s0 =	sadd.s32 $0x8F2B, s0  }
0x35: {  	[sflag:s0] =	ssyncadd.remote.s32 $0x1  }
0x36: {  	_ =	sfence.sel $0xFFFF  }
0x37: {  	[dreg:$0x0] =	wrdreg $0xFFFFFFFF;
	(pc) =	sbr.abs _section_cstart, $3  }
0x38: {  	[dreg:$0x1] =	wrdreg $0xFFFFFFFF  }
0x39: {  	_ =	task.clear_ibuf [dreg:s7], $0x2FFFF;
	_ =	strace $0x9FFFFFFF  }
0x3a: {  	(tm) =	ssettm $0x7FFFFFFF  }
0x3b: {  	_ =	shalt  }
tec
execute0_lowered:
.L_overlay_start_1:
0x0: {  	(tag) =	ssettag $0x1  }
0x1: {  	s0 =	srdreg.scid  }
0x2: {  	s1 =	sshll.u32 s0, $0x4  }
0x3: {  	s0 =	stileid.u32;
	s1 =	sand.u32 $0x10, s1  }
0x4: {  	s1 =	sor.u32 s0, s1  }
0x5: {  	s6 =	rddreg [dreg:$0x0];
	s4 =	simm.s32 $0x1;
	s2 =	sshll.u32 s1, $0x7  }
0x6: {  	s7 =	simm.s32 $0x2;
	s12 =	simm.s32 $0x0;
	s1 =	ssub.s32 $0x4000, s2  }
0x7: {  	s8 =	simm.s32 $0x20000;
	s13 =	simm.s32 $0x0;
	s3 =	sand.u32 $0xF80, s1  }
0x8: {  	s9 =	simm.s32 $0x0;
	s5 =	sshrl.u32 s1, $0xC;
	p0 =	sne.s32 s3, $0x0  }
.Ltmp0:
0x9: {  	s1 =	rddreg [dreg:$0x2];
	s4 =	simm.s32 @!p0 $0x0;
	(pc) =	sbr.rel .LBB1_1-.Ltmp0, $4  }
0xa: {  	s11 =	simm.s32 $0x0;
	s3 =	rddreg [dreg:$0x1];
	s5 =	sadd.s32 s4, s5  }
0xb: {  	_ =	strace $0x8000004A;
	s4 =	simm.s32 $0x1;
	s5 =	smul.u32 $0x32, s5  }
0xc: {  	s6 =	sadd.s32 $0xA00, s6;
	s10 =	smov.u32 s2;
	[sflag:s4] =	ssyncpa.u1 $0x0  }
0xd: {  	p0 =	por $0x0, $0x0;
	[sflag:s7] =	ssyncpa.u1 $0x0;
	s7 =	sor.u32 $0x1, s5  }
.LBB1_4:
0xe: {  	s16 =	sshll.u32 s13, $0x3;
	s17 =	sand.u32 $0x78, s13  }
0xf: {  	s30 =	sand.u32 $0x1F800, s13;
	s12 =	sshll.u32 s12, $0x11;
	s16 =	sand.u32 $0x3C00, s16  }
0x10: {  	[tilespmem:s15+$0x810 ss:$0x81] =	vst.msk $0xffff, v2;
	s31 =	sand.u32 $0x7, s13;
	s16 =	sor.u32 s17, s16;
	s17 =	sadd.s32 s3, s30  }
0x11: {  	[tilespmem:s15+$0x1020 ss:$0x81] =	vst.msk $0xffff, v0;
	s13 =	sshll.u32 s31, $0x12;
	s12 =	sadd.s32 s12, s17;
	s16 =	sshrl.u32 s16, $0x3  }
0x12: {  	[tilespmem:s15+$0x0 ss:$0x81] =	vst.msk $0xffff, v1;
	s13 =	sor.u32 $0x400, s13;
	s12 =	sadd.s32 s16, s12  }
0x13: {  	[hbm4b:s12+s13] =	stream.strided.scatter [tilespmem:s14], [sflag:$0x2], $0x2000, s8, s13, $0x20;
	[tilespmem:$0x8080] =	vst v63  }
.LBB1_5:
0x14: {  	s14 =	sadd.s32 $0x1, s9  }
0x15: {  	s12 =	sadd.s32 $0x1000, s10;
	s16 =	smov.u32 s10;
	p2 =	sgt.s32 s14, $0x31  }
0x16: {  	s16 =	smov.u32 @p2 s12  }
0x17: {  	s14 =	simm.s32 @p2 $0x0;
	p2 =	sgt.s32 s16, $0x3FFF  }
0x18: {  	s16 =	smov.u32 @p2 s2;
	p2 =	sne.s32 s11, s7  }
.Ltmp1:
0x19: {  	p1 =	slt.u32 s11, $0x2;
	(pc) =	sbr.rel @!p2 .LBB1_6-.Ltmp1, $4  }
0x1a: {  	s15 =	simm.s32 @!p1 $0x2  }
0x1b: {  	s13 =	smov.u32 s10;
	p0 =	por !p0, !p0;
	_ =	swait.ge @!p1 [sflag:s15], $0x2000  }
0x1c: {  	s12 =	smov.u32 s9;
	[sflag:s15] =	ssyncset.done @!p1 $0x0;
	s9 =	smov.u32 s14  }
0x1d: {  	s11 =	sadd.s32 $0x1, s11;
	[sflag:s15] =	ssyncadd.s32 @!p1 $0xFFFFE000;
	s10 =	smov.u32 s16  }
.LBB1_1:
0x1e: {  	p1 =	sge.u32 s11, s5  }
0x1f: {  	s14 =	sand.u32 @!p1 $0x1FFFFFF, s9  }
0x20: {  	s15 =	smulhi.u32 @!p1 $0x4924925, s14;
	_ =	sdelay $0x1  }
0x21: {  	s15 =	smul.u32 @!p1 $0x38, s15  }
0x22: {  	s16 =	sxor.u32 @!p1 $0xFFFFFFFF, s11;
	s17 =	smul.u32 @!p1 $0x380, s10  }
0x23: {  	s31 =	sadd.s32 $0xFFFFFFFF, s11;
	s16 =	sshll.u32 @!p1 s16, $0xD;
	s14 =	ssub.s32 @!p1 s14, s15  }
0x24: {  	s15 =	sand.u32 @!p1 $0x2000, s16;
	s16 =	sadd.s32 @!p1 s6, s17;
	s14 =	sshll.u32 @!p1 s14, $0x4  }
0x25: {  	s17 =	simm.s32 @!p1 $0x1C00;
	s14 =	sadd.s32 @!p1 s14, s16;
	s16 =	simm.s32 @!p1 $0x40  }
0x26: {  	[tilespmem:s15], [sflag:$0x1] =	stream.strided.gather @!p1 [hbm4b:s14+s16], $0x2000, s17, s16, $0x38;
	[tilespmem:$0x8080] =	vst v63  }
0x27: {  	p1 =	sge.u32 s31, s5  }
.Ltmp2:
0x28: {  	_ = 	snop;
	(pc) =	sbr.rel @p1 .LBB1_5-.Ltmp2, $1  }
0x29: {  	_ =	sdelay $0x3  }
0x2a: {  	s14 =	simm.s32 $0x1  }
0x2b: {  	_ =	swait.ge [sflag:s4], $0x2000;
	s14 =	simm.s32 @!p0 $0x0  }
0x2c: {  	[sflag:s4] =	ssyncset.done $0x0;
	s15 =	sshll.u32 s14, $0xD  }
0x2d: {  	[sflag:s4] =	ssyncadd.s32 $0xFFFFE000;
	s18 =	sor.u32 $0x20, s15  }
0x2e: {  	s14 =	smul.u32 $0x8100, s14;
	v3 =	vld [tilespmem:s18+$0x10]  }
0x2f: {  	s30 =	sand.u32 $0x1, s11;
	v2 =	vld [tilespmem:s18+$0xFFFFFFF0]  }
0x30: {  	s15 =	smul.u32 $0x8100, s30;
	s14 =	sshrl.u32 s14, $0x2;
	v0 =	vld [tilespmem:s18+$0x0]  }
0x31: {  	v1 =	vld [tilespmem:s18+$0xFFFFFFE0];
	s16 =	sor.u32 $0x4000, s14  }
0x32: {  	s31 =	sshrl.u32 s15, $0x2;
	s15 =	sadd.s32 $0x0, s16  }
0x33: {  	s17 =	simm.s32 $0x4;
	s18 =	sadd.s32 $0x40, s18;
	s14 =	sor.u32 $0x4000, s31;
	[tilespmem:s15+$0x1830 ss:$0x81] =	vst.msk $0xffff, v3  }
.LBB1_3:
0x34: {  	v3 =	vld [tilespmem:s18+$0x10];
	p1 =	sne.s32 s17, $0x1FC;
	[tilespmem:s15+$0x810 ss:$0x81] =	vst.msk $0xffff, v2;
	s19 =	smov.u32 s17;
	s17 =	sadd.s32 $0x4, s17  }
.Ltmp3:
0x35: {  	v2 =	vld [tilespmem:s18+$0xFFFFFFF0];
	[tilespmem:s15+$0x1020 ss:$0x81] =	vst.msk $0xffff, v0;
	(pc) =	sbr.rel @p1 .LBB1_3-.Ltmp3, $4  }
0x36: {  	v0 =	vld [tilespmem:s18+$0x0];
	[tilespmem:s15+$0x0 ss:$0x81] =	vst.msk $0xffff, v1  }
0x37: {  	s15 =	sshra.s32 s19, $0x2;
	v1 =	vld [tilespmem:s18+$0xFFFFFFE0]  }
0x38: {  	s15 =	sadd.s32 s15, s16  }
0x39: {  	s18 =	sadd.s32 $0x40, s18;
	[tilespmem:s15+$0x1830 ss:$0x81] =	vst.msk $0xffff, v3  }
.Ltmp4:
0x3a: {  	_ = 	snop;
	(pc) =	sbr.rel .LBB1_4-.Ltmp4, $1  }
0x3b: {  	_ =	sdelay $0x3  }
.LBB1_6:
0x3c: {  	_ =	sfence.sel $0x180000  }
0x3d: {  	s2 =	simm.s32 $0x1;
	[bflag:$0x0] =	sbarrier.arrive $0xFFFF  }
0x3e: {  	s31 =	simm.s32 $0x2;
	[sflag:s2] =	ssyncpa.u1 $0x1  }
0x3f: {  	[sflag:s31] =	ssyncpa.u1 $0x1  }
0x40: {  	p0 =	sne.s32 s0, $0x0;
	_ =	strace $0x9000004A  }
0x41: {  	s0 =	sadd.s32 @!p0 $0x100000, s1;
	[bflag:$0x2] =	sbarrier.arrive $0xFFFF  }
0x42: {  	[sflag:s0] =	ssyncadd.tile.s32 @!p0 $0x1;
	_ =	shalt  }
.Lfunc_end1:
_tile_overlayer_lowered:
.L_overlay_start_2:
0x43: {  	(tag) =	ssettag $0x2  }
0x44: {  	s0 =	rddreg [dreg:$0x0];
	s2 =	stileid.u32  }
0x45: {  	s1 =	rddreg [dreg:$0x1];
	p0 =	sne.s32 s2, $0x0  }
0x46: {  	s3 =	rddreg [dreg:$0x2];
	[bflag:$0x3] =	sbarrier.arrive $0xFFFF;
	s2 =	simm.s32 @!p0 $0x1C01  }
0x47: {  	[timem:s3], [sflag:s2] =	dma.local @!p0 [hbm:s0], s1  }
0x48: {  	s0 =	simm.s32 @!p0 $0x1  }
0x49: {  	_ =	swait.ge @!p0 [sflag:s0], s1  }
0x4a: {  	s1 =	ssub.s32 @!p0 $0x0, s1;
	[sflag:s0] =	ssyncset.done @!p0 $0x0  }
0x4b: {  	[sflag:s0] =	ssyncadd.s32 @!p0 s1  }
0x4c: {  	[bflag:$0x3] =	sbarrier.arrive $0xFFFF  }
0x4d: {  	_ =	shalt  }

</sc_bundles>
